<compile_context>
chip_gen: v7x
topology: tpu7x:2x2x1
jax: 0.10.2.dev20260603
libtpu: 0.0.44.dev20260713+nightly
codegen_flags: <defaults>
</compile_context>

<pallas_src>
import functools

import jax
import jax.numpy as jnp
from jax import lax
from jax.experimental import pallas as pl
from jax.experimental.pallas import tpu as pltpu
from jax.experimental.pallas import tpu_sc as plsc

N = 10000
E = 320000
D = 128
NC = 2
NS = 16
NW = NC * NS
CHUNK = 128
N_CHUNKS = 2560
E_PAD = N_CHUNKS * CHUNK - E
CPW = N_CHUNKS // NW
SLAB = 40
N_TRASH = 240
ACC_ROWS = N + N_TRASH
ZSTRIPE = ACC_ROWS // NS
DSTRIPE = 640
BM = 2000


def _make_sc_aggregate():
    mesh = plsc.VectorSubcoreMesh(core_axis_name="c", subcore_axis_name="s")

    @functools.partial(
        pl.kernel,
        out_type=jax.ShapeDtypeStruct((NC, N, D), jnp.float32),
        mesh=mesh,
        scratch_types=[
            pltpu.VMEM((SLAB, CHUNK), jnp.int32),
            pltpu.VMEM((SLAB, CHUNK), jnp.int32),
            pltpu.VMEM((2, CHUNK, D), jnp.float32),
            pltpu.VMEM_SHARED((ACC_ROWS, D), jnp.float32),
            pltpu.SemaphoreType.DMA,
            pltpu.SemaphoreType.DMA,
            pltpu.SemaphoreType.DMA,
            pltpu.SemaphoreType.DMA,
        ],
    )
    def sc_aggregate(col_hbm, row_hbm, x_hbm, zeros_hbm, out_hbm,
                     colv, rowv, gath, acc, sem_i, sem_g, sem_s, sem_z):
        c = lax.axis_index("c")
        s = lax.axis_index("s")
        wid = s * NC + c

        zd = pltpu.async_copy(zeros_hbm.at[pl.ds(s * ZSTRIPE, ZSTRIPE), :],
                              acc.at[pl.ds(s * ZSTRIPE, ZSTRIPE), :], sem_z)
        i0 = pltpu.async_copy(col_hbm.at[pl.ds(wid * CPW, SLAB), :], colv, sem_i)
        i1 = pltpu.async_copy(row_hbm.at[pl.ds(wid * CPW, SLAB), :], rowv, sem_i)
        zd.wait()
        plsc.subcore_barrier()

        for ph in range(2):
            if ph == 0:
                i0.wait()
                i1.wait()
            else:
                base = wid * CPW + SLAB
                pltpu.async_copy(col_hbm.at[pl.ds(base, SLAB), :], colv, sem_i).wait()
                pltpu.async_copy(row_hbm.at[pl.ds(base, SLAB), :], rowv, sem_i).wait()

            pltpu.async_copy(x_hbm.at[colv.at[0]], gath.at[0], sem_g)
            pltpu.async_copy(x_hbm.at[colv.at[1]], gath.at[1], sem_g)

            @pl.loop(0, SLAB, step=2)
            def _(t):
                for b in range(2):
                    tb = t + b
                    pltpu.make_async_copy(x_hbm.at[colv.at[tb]], gath.at[b],
                                          sem_g).wait()
                    pltpu.async_copy(gath.at[b], acc.at[rowv.at[tb]],
                                     sem_s, add=True).wait()

                    @pl.when(tb + 2 < SLAB)
                    def _():
                        pltpu.async_copy(x_hbm.at[colv.at[tb + 2]],
                                         gath.at[b], sem_g)

        plsc.subcore_barrier()

        @pl.when(s < NS - 1)
        def _():
            pltpu.async_copy(acc.at[pl.ds(s * DSTRIPE, DSTRIPE), :],
                             out_hbm.at[c, pl.ds(s * DSTRIPE, DSTRIPE), :],
                             sem_z).wait()

        @pl.when(s == NS - 1)
        def _():
            tail = N - (NS - 1) * DSTRIPE
            pltpu.async_copy(acc.at[pl.ds((NS - 1) * DSTRIPE, tail), :],
                             out_hbm.at[c, pl.ds((NS - 1) * DSTRIPE, tail), :],
                             sem_z).wait()

    return sc_aggregate


_sc_aggregate = _make_sc_aggregate()


def _tc_matmul_body(p_ref, w_ref, b_ref, o_ref):
    agg = p_ref[0] + p_ref[1]
    o_ref[...] = (
        jnp.dot(agg, w_ref[...], preferred_element_type=jnp.float32)
        + b_ref[...]
    )


def _tc_matmul(partials, w, b):
    return pl.pallas_call(
        _tc_matmul_body,
        grid=(N // BM,),
        in_specs=[
            pl.BlockSpec((NC, BM, D), lambda i: (0, i, 0)),
            pl.BlockSpec((D, D), lambda i: (0, 0)),
            pl.BlockSpec((1, D), lambda i: (0, 0)),
        ],
        out_specs=pl.BlockSpec((BM, D), lambda i: (i, 0)),
        out_shape=jax.ShapeDtypeStruct((N, D), jnp.float32),
    )(partials, w, b)


def kernel(X, A_edge_index, W, b):
    idx = jnp.arange(E_PAD, dtype=jnp.int32)
    pad_row = N + idx % N_TRASH
    pad_col = (idx * 131) % N
    row = jnp.concatenate([A_edge_index[0], pad_row]).reshape(N_CHUNKS, CHUNK)
    col = jnp.concatenate([A_edge_index[1], pad_col]).reshape(N_CHUNKS, CHUNK)
    zeros = jnp.zeros((ACC_ROWS, D), jnp.float32)
    partials = _sc_aggregate(col, row, X, zeros)
    return _tc_matmul(partials, W, b.reshape(1, D))

# --- scband reference (transcript-rebuilt; emitter-appended) ---
"""Pipeline reference for scband-graph-convolution-69604239999347 (READ-ONLY COPY).

The authoritative reference and input builder live on the scoring server;
editing this copy changes nothing except your own understanding.
"""

import jax, jax.numpy as jnp
import numpy as np

N_NODES = 10000
N_EDGES = 320000
D_IN = 128
D_OUT = 128


def setup_inputs(seed: int = 0) -> dict:
    key = jax.random.key(seed)
    k1, k2, k3 = jax.random.split(key, 3)
    X = jax.random.normal(k1, (N_NODES, D_IN), dtype=jnp.float32)
    # edge_index[0] = row (dst), edge_index[1] = col (src); A is N x N with 1.0 at (row, col)
    edge_index = jax.random.randint(k2, (2, N_EDGES), 0, N_NODES, dtype=jnp.int32)
    # Xavier-uniform weight (as in reset_parameters, applied to weight.T -> same bound for [in,out])
    bound = float(np.sqrt(6.0 / (D_IN + D_OUT)))
    W = jax.random.uniform(k3, (D_IN, D_OUT), dtype=jnp.float32, minval=-bound, maxval=bound)
    b = jnp.zeros((D_OUT,), dtype=jnp.float32)
    return {"X": X, "A_edge_index": edge_index, "W": W, "b": b}


def reference(X, A_edge_index, W, b):
    # support = X @ W  (dense matmul)
    support = X @ W
    # output = A @ support : out[row] += support[col] for each nonzero (row, col) of A (values = 1.0)
    row = A_edge_index[0]
    col = A_edge_index[1]
    gathered = jnp.take(support, col, axis=0)
    output = jax.ops.segment_sum(gathered, row, num_segments=N_NODES)
    return output + b

if __name__ == "__main__":
    import jax
    _d = setup_inputs()
    print(jax.jit(kernel)(*tuple(_d.values())))

</pallas_src>

<mosaic_0001>
#map = affine_map<(d0, d1) -> (0, 0)>
#map1 = affine_map<(d0, d1) -> (0, 0, 0)>
module attributes {stable_mosaic.version = 14 : i64} {
  func.func @sc_aggregate(%arg0: i32, %arg1: i32, %arg2: memref<2560x128xi32, #tpu.memory_space<hbm>>, %arg3: memref<2560x128xi32, #tpu.memory_space<hbm>>, %arg4: memref<10000x128xf32, #tpu.memory_space<hbm>>, %arg5: memref<10240x128xf32, #tpu.memory_space<hbm>>, %arg6: memref<2x10000x128xf32, #tpu.memory_space<hbm>>, %arg7: memref<40x128xi32, #tpu.memory_space<vmem>>, %arg8: memref<40x128xi32, #tpu.memory_space<vmem>>, %arg9: memref<2x128x128xf32, #tpu.memory_space<vmem>>, %arg10: memref<10240x128xf32, #tpu.memory_space<vmem_shared>>, %arg11: memref<!tpu.dma_semaphore, #tpu.memory_space<semaphore_mem>>, %arg12: memref<!tpu.dma_semaphore, #tpu.memory_space<semaphore_mem>>, %arg13: memref<!tpu.dma_semaphore, #tpu.memory_space<semaphore_mem>>, %arg14: memref<!tpu.dma_semaphore, #tpu.memory_space<semaphore_mem>>) attributes {dimension_semantics = [#tpu.dimension_semantics<core_parallel>, #tpu.dimension_semantics<subcore_parallel>], iteration_bounds = array<i64: 2, 16>, scalar_prefetch = 0 : i64, scratch_operands = 8 : i64, tpu.core_type = #tpu.core_type<sc_vector_subcore>, window_params = [{transform_indices = #map}, {transform_indices = #map}, {transform_indices = #map}, {transform_indices = #map}, {transform_indices = #map1}]} {
    %mul3A = arith.constant 2 : i32
    %mul3A_0 = arith.muli %arg1, %mul3A : i32
    %add3A = arith.addi %mul3A_0, %arg0 : i32
    %mul3A_1 = arith.constant 640 : i32
    %mul3A_2 = arith.muli %arg1, %mul3A_1 : i32
    %mul3A_3 = arith.constant 640 : i32
    %mul3A_4 = arith.muli %arg1, %mul3A_3 : i32
    %dma_start3A = arith.constant 0 : i32
    %dma_start3A_5 = tpu.memref_slice %arg10[%mul3A_4, %dma_start3A] : memref<10240x128xf32, #tpu.memory_space<vmem_shared>> -> memref<640x128xf32, #tpu.memory_space<vmem_shared>>
    %dma_start3A_6 = arith.constant 0 : i32
    %dma_start3A_7 = tpu.memref_slice %arg5[%mul3A_2, %dma_start3A_6] : memref<10240x128xf32, #tpu.memory_space<hbm>> -> memref<640x128xf32, #tpu.memory_space<hbm>>
    tpu.enqueue_dma source(%dma_start3A_7 : memref<640x128xf32, #tpu.memory_space<hbm>>) target(%dma_start3A_5 : memref<640x128xf32, #tpu.memory_space<vmem_shared>>) target_semaphore(%arg14 : memref<!tpu.dma_semaphore, #tpu.memory_space<semaphore_mem>>)
    %mul3A_8 = arith.constant 80 : i32
    %mul3A_9 = arith.muli %add3A, %mul3A_8 : i32
    %dma_start3A_10 = arith.constant 0 : i32
    %dma_start3A_11 = tpu.memref_slice %arg2[%mul3A_9, %dma_start3A_10] : memref<2560x128xi32, #tpu.memory_space<hbm>> -> memref<40x128xi32, #tpu.memory_space<hbm>>
    %dma_start3A_12 = arith.constant 0 : i32
    %dma_start3A_13 = tpu.memref_slice %arg2[%mul3A_9, %dma_start3A_12] : memref<2560x128xi32, #tpu.memory_space<hbm>> -> memref<40x128xi32, #tpu.memory_space<hbm>>
    tpu.enqueue_dma source(%dma_start3A_13 : memref<40x128xi32, #tpu.memory_space<hbm>>) target(%arg7 : memref<40x128xi32, #tpu.memory_space<vmem>>) target_semaphore(%arg11 : memref<!tpu.dma_semaphore, #tpu.memory_space<semaphore_mem>>)
    %mul3A_14 = arith.constant 80 : i32
    %mul3A_15 = arith.muli %add3A, %mul3A_14 : i32
    %dma_start3A_16 = arith.constant 0 : i32
    %dma_start3A_17 = tpu.memref_slice %arg3[%mul3A_15, %dma_start3A_16] : memref<2560x128xi32, #tpu.memory_space<hbm>> -> memref<40x128xi32, #tpu.memory_space<hbm>>
    %dma_start3A_18 = arith.constant 0 : i32
    %dma_start3A_19 = tpu.memref_slice %arg3[%mul3A_15, %dma_start3A_18] : memref<2560x128xi32, #tpu.memory_space<hbm>> -> memref<40x128xi32, #tpu.memory_space<hbm>>
    tpu.enqueue_dma source(%dma_start3A_19 : memref<40x128xi32, #tpu.memory_space<hbm>>) target(%arg8 : memref<40x128xi32, #tpu.memory_space<vmem>>) target_semaphore(%arg11 : memref<!tpu.dma_semaphore, #tpu.memory_space<semaphore_mem>>)
    %dma_wait3A = arith.constant 0 : i32
    %dma_wait3A_20 = tpu.memref_slice %arg10[%mul3A_4, %dma_wait3A] : memref<10240x128xf32, #tpu.memory_space<vmem_shared>> -> memref<640x128xf32, #tpu.memory_space<vmem_shared>>
    %dma_wait3A_21 = arith.constant 0 : i32
    %dma_wait3A_22 = tpu.memref_slice %arg5[%mul3A_2, %dma_wait3A_21] : memref<10240x128xf32, #tpu.memory_space<hbm>> -> memref<640x128xf32, #tpu.memory_space<hbm>>
    tpu.wait_dma2 semaphore(%arg14 : memref<!tpu.dma_semaphore, #tpu.memory_space<semaphore_mem>>) src(%dma_wait3A_22 : memref<640x128xf32, #tpu.memory_space<hbm>>) dst(%dma_wait3A_20 : memref<640x128xf32, #tpu.memory_space<vmem_shared>>)
    %barrier3A = arith.constant 0 : index
    tpu.barrier barrier_id(%barrier3A)
    %dma_wait3A_23 = arith.constant 0 : i32
    %dma_wait3A_24 = tpu.memref_slice %arg2[%mul3A_9, %dma_wait3A_23] : memref<2560x128xi32, #tpu.memory_space<hbm>> -> memref<40x128xi32, #tpu.memory_space<hbm>>
    %dma_wait3A_25 = arith.constant 0 : i32
    %dma_wait3A_26 = tpu.memref_slice %arg2[%mul3A_9, %dma_wait3A_25] : memref<2560x128xi32, #tpu.memory_space<hbm>> -> memref<40x128xi32, #tpu.memory_space<hbm>>
    tpu.wait_dma2 semaphore(%arg11 : memref<!tpu.dma_semaphore, #tpu.memory_space<semaphore_mem>>) src(%dma_wait3A_26 : memref<40x128xi32, #tpu.memory_space<hbm>>) dst(%arg7 : memref<40x128xi32, #tpu.memory_space<vmem>>)
    %dma_wait3A_27 = arith.constant 0 : i32
    %dma_wait3A_28 = tpu.memref_slice %arg3[%mul3A_15, %dma_wait3A_27] : memref<2560x128xi32, #tpu.memory_space<hbm>> -> memref<40x128xi32, #tpu.memory_space<hbm>>
    %dma_wait3A_29 = arith.constant 0 : i32
    %dma_wait3A_30 = tpu.memref_slice %arg3[%mul3A_15, %dma_wait3A_29] : memref<2560x128xi32, #tpu.memory_space<hbm>> -> memref<40x128xi32, #tpu.memory_space<hbm>>
    tpu.wait_dma2 semaphore(%arg11 : memref<!tpu.dma_semaphore, #tpu.memory_space<semaphore_mem>>) src(%dma_wait3A_30 : memref<40x128xi32, #tpu.memory_space<hbm>>) dst(%arg8 : memref<40x128xi32, #tpu.memory_space<vmem>>)
    %dma_start3A_31 = arith.constant 0 : i32
    %dma_start3A_32 = arith.constant 0 : i32
    %dma_start3A_33 = arith.constant 0 : i32
    %dma_start3A_34 = arith.constant 0 : i32
    %dma_start3A_35 = tpu.memref_slice %arg9[%dma_start3A_32, %dma_start3A_33, %dma_start3A_34] : memref<2x128x128xf32, #tpu.memory_space<vmem>> -> memref<1x128x128xf32, #tpu.memory_space<vmem>>
    %dma_start3A_36 = tpu.memref_squeeze %dma_start3A_35 : memref<1x128x128xf32, #tpu.memory_space<vmem>> -> memref<128x128xf32, #tpu.memory_space<vmem>>
    %dma_start3A_37 = arith.constant 0 : i32
    %dma_start3A_38 = tpu.memref_slice %arg7[%dma_start3A_31, %dma_start3A_37] : memref<40x128xi32, #tpu.memory_space<vmem>> -> memref<1x128xi32, #tpu.memory_space<vmem>>
    %dma_start3A_39 = tpu.memref_squeeze %dma_start3A_38 : memref<1x128xi32, #tpu.memory_space<vmem>> -> memref<128xi32, #tpu.memory_space<vmem>>
    %dma_start3A_40 = arith.constant 0 : i32
    %dma_start3A_41 = arith.constant 0 : i32
    %dma_start3A_42 = tpu.memref_slice %arg4[%dma_start3A_40, %dma_start3A_41] : memref<10000x128xf32, #tpu.memory_space<hbm>> -> memref<10000x128xf32, #tpu.memory_space<hbm>>
    tpu.enqueue_indirect_dma source(%dma_start3A_42 : memref<10000x128xf32, #tpu.memory_space<hbm>>) target(%dma_start3A_36 : memref<128x128xf32, #tpu.memory_space<vmem>>) offsets(%dma_start3A_39 : memref<128xi32, #tpu.memory_space<vmem>>) semaphore(%arg12 : memref<!tpu.dma_semaphore, #tpu.memory_space<semaphore_mem>>)
    %dma_start3A_43 = arith.constant 1 : i32
    %dma_start3A_44 = arith.constant 1 : i32
    %dma_start3A_45 = arith.constant 0 : i32
    %dma_start3A_46 = arith.constant 0 : i32
    %dma_start3A_47 = tpu.memref_slice %arg9[%dma_start3A_44, %dma_start3A_45, %dma_start3A_46] : memref<2x128x128xf32, #tpu.memory_space<vmem>> -> memref<1x128x128xf32, #tpu.memory_space<vmem>>
    %dma_start3A_48 = tpu.memref_squeeze %dma_start3A_47 : memref<1x128x128xf32, #tpu.memory_space<vmem>> -> memref<128x128xf32, #tpu.memory_space<vmem>>
    %dma_start3A_49 = arith.constant 0 : i32
    %dma_start3A_50 = tpu.memref_slice %arg7[%dma_start3A_43, %dma_start3A_49] : memref<40x128xi32, #tpu.memory_space<vmem>> -> memref<1x128xi32, #tpu.memory_space<vmem>>
    %dma_start3A_51 = tpu.memref_squeeze %dma_start3A_50 : memref<1x128xi32, #tpu.memory_space<vmem>> -> memref<128xi32, #tpu.memory_space<vmem>>
    %dma_start3A_52 = arith.constant 0 : i32
    %dma_start3A_53 = arith.constant 0 : i32
    %dma_start3A_54 = tpu.memref_slice %arg4[%dma_start3A_52, %dma_start3A_53] : memref<10000x128xf32, #tpu.memory_space<hbm>> -> memref<10000x128xf32, #tpu.memory_space<hbm>>
    tpu.enqueue_indirect_dma source(%dma_start3A_54 : memref<10000x128xf32, #tpu.memory_space<hbm>>) target(%dma_start3A_48 : memref<128x128xf32, #tpu.memory_space<vmem>>) offsets(%dma_start3A_51 : memref<128xi32, #tpu.memory_space<vmem>>) semaphore(%arg12 : memref<!tpu.dma_semaphore, #tpu.memory_space<semaphore_mem>>)
    %scan3A = arith.constant 0 : i32
    %scan3A_55 = arith.constant 20 : i32
    %scan3A_56 = arith.addi %scan3A, %scan3A_55 : i32
    %scan3A_57 = arith.constant 1 : i32
    scf.for %scan3A_115 = %scan3A to %scan3A_56 step %scan3A_57  : i32 {
      %mul3A_116 = arith.constant 2 : i32
      %mul3A_117 = arith.muli %scan3A_115, %mul3A_116 : i32
      %add3A_118 = arith.constant 0 : i32
      %add3A_119 = arith.addi %add3A_118, %mul3A_117 : i32
      %add3A_120 = arith.constant 0 : i32
      %add3A_121 = arith.addi %add3A_119, %add3A_120 : i32
      %dma_wait3A_122 = arith.constant 0 : i32
      %dma_wait3A_123 = arith.constant 0 : i32
      %dma_wait3A_124 = arith.constant 0 : i32
      %dma_wait3A_125 = tpu.memref_slice %arg9[%dma_wait3A_122, %dma_wait3A_123, %dma_wait3A_124] : memref<2x128x128xf32, #tpu.memory_space<vmem>> -> memref<1x128x128xf32, #tpu.memory_space<vmem>>
      %dma_wait3A_126 = tpu.memref_squeeze %dma_wait3A_125 : memref<1x128x128xf32, #tpu.memory_space<vmem>> -> memref<128x128xf32, #tpu.memory_space<vmem>>
      %dma_wait3A_127 = arith.constant 0 : i32
      %dma_wait3A_128 = tpu.memref_slice %arg7[%add3A_121, %dma_wait3A_127] : memref<40x128xi32, #tpu.memory_space<vmem>> -> memref<1x128xi32, #tpu.memory_space<vmem>>
      %dma_wait3A_129 = tpu.memref_squeeze %dma_wait3A_128 : memref<1x128xi32, #tpu.memory_space<vmem>> -> memref<128xi32, #tpu.memory_space<vmem>>
      %dma_wait3A_130 = arith.constant 0 : i32
      %dma_wait3A_131 = arith.constant 0 : i32
      %dma_wait3A_132 = tpu.memref_slice %arg4[%dma_wait3A_130, %dma_wait3A_131] : memref<10000x128xf32, #tpu.memory_space<hbm>> -> memref<10000x128xf32, #tpu.memory_space<hbm>>
      tpu.wait_indirect_dma semaphore(%arg12 : memref<!tpu.dma_semaphore, #tpu.memory_space<semaphore_mem>>) src(%dma_wait3A_132 : memref<10000x128xf32, #tpu.memory_space<hbm>>) dst(%dma_wait3A_126 : memref<128x128xf32, #tpu.memory_space<vmem>>)
      %dma_start3A_133 = arith.constant 0 : i32
      %dma_start3A_134 = arith.constant 0 : i32
      %dma_start3A_135 = arith.constant 0 : i32
      %dma_start3A_136 = tpu.memref_slice %arg9[%dma_start3A_133, %dma_start3A_134, %dma_start3A_135] : memref<2x128x128xf32, #tpu.memory_space<vmem>> -> memref<1x128x128xf32, #tpu.memory_space<vmem>>
      %dma_start3A_137 = tpu.memref_squeeze %dma_start3A_136 : memref<1x128x128xf32, #tpu.memory_space<vmem>> -> memref<128x128xf32, #tpu.memory_space<vmem>>
      %dma_start3A_138 = arith.constant 0 : i32
      %dma_start3A_139 = tpu.memref_slice %arg8[%add3A_121, %dma_start3A_138] : memref<40x128xi32, #tpu.memory_space<vmem>> -> memref<1x128xi32, #tpu.memory_space<vmem>>
      %dma_start3A_140 = tpu.memref_squeeze %dma_start3A_139 : memref<1x128xi32, #tpu.memory_space<vmem>> -> memref<128xi32, #tpu.memory_space<vmem>>
      %dma_start3A_141 = arith.constant 0 : i32
      %dma_start3A_142 = arith.constant 0 : i32
      %dma_start3A_143 = tpu.memref_slice %arg10[%dma_start3A_141, %dma_start3A_142] : memref<10240x128xf32, #tpu.memory_space<vmem_shared>> -> memref<10240x128xf32, #tpu.memory_space<vmem_shared>>
      tpu.enqueue_indirect_dma source(%dma_start3A_137 : memref<128x128xf32, #tpu.memory_space<vmem>>) target(%dma_start3A_143 : memref<10240x128xf32, #tpu.memory_space<vmem_shared>>) offsets(%dma_start3A_140 : memref<128xi32, #tpu.memory_space<vmem>>) semaphore(%arg13 : memref<!tpu.dma_semaphore, #tpu.memory_space<semaphore_mem>>) {add = true}
      %dma_wait3A_144 = arith.constant 0 : i32
      %dma_wait3A_145 = arith.constant 0 : i32
      %dma_wait3A_146 = arith.constant 0 : i32
      %dma_wait3A_147 = tpu.memref_slice %arg9[%dma_wait3A_144, %dma_wait3A_145, %dma_wait3A_146] : memref<2x128x128xf32, #tpu.memory_space<vmem>> -> memref<1x128x128xf32, #tpu.memory_space<vmem>>
      %dma_wait3A_148 = tpu.memref_squeeze %dma_wait3A_147 : memref<1x128x128xf32, #tpu.memory_space<vmem>> -> memref<128x128xf32, #tpu.memory_space<vmem>>
      %dma_wait3A_149 = arith.constant 0 : i32
      %dma_wait3A_150 = tpu.memref_slice %arg8[%add3A_121, %dma_wait3A_149] : memref<40x128xi32, #tpu.memory_space<vmem>> -> memref<1x128xi32, #tpu.memory_space<vmem>>
      %dma_wait3A_151 = tpu.memref_squeeze %dma_wait3A_150 : memref<1x128xi32, #tpu.memory_space<vmem>> -> memref<128xi32, #tpu.memory_space<vmem>>
      %dma_wait3A_152 = arith.constant 0 : i32
      %dma_wait3A_153 = arith.constant 0 : i32
      %dma_wait3A_154 = tpu.memref_slice %arg10[%dma_wait3A_152, %dma_wait3A_153] : memref<10240x128xf32, #tpu.memory_space<vmem_shared>> -> memref<10240x128xf32, #tpu.memory_space<vmem_shared>>
      tpu.wait_indirect_dma semaphore(%arg13 : memref<!tpu.dma_semaphore, #tpu.memory_space<semaphore_mem>>) src(%dma_wait3A_148 : memref<128x128xf32, #tpu.memory_space<vmem>>) dst(%dma_wait3A_154 : memref<10240x128xf32, #tpu.memory_space<vmem_shared>>)
      %add3A_155 = arith.constant 2 : i32
      %add3A_156 = arith.addi %add3A_121, %add3A_155 : i32
      %lt3A_157 = arith.constant 40 : i32
      %lt3A_158 = arith.cmpi slt, %add3A_156, %lt3A_157 : i32
      %convert_element_type3A_159 = arith.extui %lt3A_158 : i1 to i32
      %cond3A_160 = arith.constant 0 : i32
      %cond3A_161 = arith.cmpi ne, %convert_element_type3A_159, %cond3A_160 : i32
      scf.if %cond3A_161 {
        %add3A_204 = arith.constant 2 : i32
        %add3A_205 = arith.addi %add3A_121, %add3A_204 : i32
        %dma_start3A_206 = arith.constant 0 : i32
        %dma_start3A_207 = arith.constant 0 : i32
        %dma_start3A_208 = arith.constant 0 : i32
        %dma_start3A_209 = tpu.memref_slice %arg9[%dma_start3A_206, %dma_start3A_207, %dma_start3A_208] : memref<2x128x128xf32, #tpu.memory_space<vmem>> -> memref<1x128x128xf32, #tpu.memory_space<vmem>>
        %dma_start3A_210 = tpu.memref_squeeze %dma_start3A_209 : memref<1x128x128xf32, #tpu.memory_space<vmem>> -> memref<128x128xf32, #tpu.memory_space<vmem>>
        %dma_start3A_211 = arith.constant 0 : i32
        %dma_start3A_212 = tpu.memref_slice %arg7[%add3A_205, %dma_start3A_211] : memref<40x128xi32, #tpu.memory_space<vmem>> -> memref<1x128xi32, #tpu.memory_space<vmem>>
        %dma_start3A_213 = tpu.memref_squeeze %dma_start3A_212 : memref<1x128xi32, #tpu.memory_space<vmem>> -> memref<128xi32, #tpu.memory_space<vmem>>
        %dma_start3A_214 = arith.constant 0 : i32
        %dma_start3A_215 = arith.constant 0 : i32
        %dma_start3A_216 = tpu.memref_slice %arg4[%dma_start3A_214, %dma_start3A_215] : memref<10000x128xf32, #tpu.memory_space<hbm>> -> memref<10000x128xf32, #tpu.memory_space<hbm>>
        tpu.enqueue_indirect_dma source(%dma_start3A_216 : memref<10000x128xf32, #tpu.memory_space<hbm>>) target(%dma_start3A_210 : memref<128x128xf32, #tpu.memory_space<vmem>>) offsets(%dma_start3A_213 : memref<128xi32, #tpu.memory_space<vmem>>) semaphore(%arg12 : memref<!tpu.dma_semaphore, #tpu.memory_space<semaphore_mem>>)
      } else {
      }
      %add3A_162 = arith.constant 1 : i32
      %add3A_163 = arith.addi %add3A_119, %add3A_162 : i32
      %dma_wait3A_164 = arith.constant 1 : i32
      %dma_wait3A_165 = arith.constant 0 : i32
      %dma_wait3A_166 = arith.constant 0 : i32
      %dma_wait3A_167 = tpu.memref_slice %arg9[%dma_wait3A_164, %dma_wait3A_165, %dma_wait3A_166] : memref<2x128x128xf32, #tpu.memory_space<vmem>> -> memref<1x128x128xf32, #tpu.memory_space<vmem>>
      %dma_wait3A_168 = tpu.memref_squeeze %dma_wait3A_167 : memref<1x128x128xf32, #tpu.memory_space<vmem>> -> memref<128x128xf32, #tpu.memory_space<vmem>>
      %dma_wait3A_169 = arith.constant 0 : i32
      %dma_wait3A_170 = tpu.memref_slice %arg7[%add3A_163, %dma_wait3A_169] : memref<40x128xi32, #tpu.memory_space<vmem>> -> memref<1x128xi32, #tpu.memory_space<vmem>>
      %dma_wait3A_171 = tpu.memref_squeeze %dma_wait3A_170 : memref<1x128xi32, #tpu.memory_space<vmem>> -> memref<128xi32, #tpu.memory_space<vmem>>
      %dma_wait3A_172 = arith.constant 0 : i32
      %dma_wait3A_173 = arith.constant 0 : i32
      %dma_wait3A_174 = tpu.memref_slice %arg4[%dma_wait3A_172, %dma_wait3A_173] : memref<10000x128xf32, #tpu.memory_space<hbm>> -> memref<10000x128xf32, #tpu.memory_space<hbm>>
      tpu.wait_indirect_dma semaphore(%arg12 : memref<!tpu.dma_semaphore, #tpu.memory_space<semaphore_mem>>) src(%dma_wait3A_174 : memref<10000x128xf32, #tpu.memory_space<hbm>>) dst(%dma_wait3A_168 : memref<128x128xf32, #tpu.memory_space<vmem>>)
      %dma_start3A_175 = arith.constant 1 : i32
      %dma_start3A_176 = arith.constant 0 : i32
      %dma_start3A_177 = arith.constant 0 : i32
      %dma_start3A_178 = tpu.memref_slice %arg9[%dma_start3A_175, %dma_start3A_176, %dma_start3A_177] : memref<2x128x128xf32, #tpu.memory_space<vmem>> -> memref<1x128x128xf32, #tpu.memory_space<vmem>>
      %dma_start3A_179 = tpu.memref_squeeze %dma_start3A_178 : memref<1x128x128xf32, #tpu.memory_space<vmem>> -> memref<128x128xf32, #tpu.memory_space<vmem>>
      %dma_start3A_180 = arith.constant 0 : i32
      %dma_start3A_181 = tpu.memref_slice %arg8[%add3A_163, %dma_start3A_180] : memref<40x128xi32, #tpu.memory_space<vmem>> -> memref<1x128xi32, #tpu.memory_space<vmem>>
      %dma_start3A_182 = tpu.memref_squeeze %dma_start3A_181 : memref<1x128xi32, #tpu.memory_space<vmem>> -> memref<128xi32, #tpu.memory_space<vmem>>
      %dma_start3A_183 = arith.constant 0 : i32
      %dma_start3A_184 = arith.constant 0 : i32
      %dma_start3A_185 = tpu.memref_slice %arg10[%dma_start3A_183, %dma_start3A_184] : memref<10240x128xf32, #tpu.memory_space<vmem_shared>> -> memref<10240x128xf32, #tpu.memory_space<vmem_shared>>
      tpu.enqueue_indirect_dma source(%dma_start3A_179 : memref<128x128xf32, #tpu.memory_space<vmem>>) target(%dma_start3A_185 : memref<10240x128xf32, #tpu.memory_space<vmem_shared>>) offsets(%dma_start3A_182 : memref<128xi32, #tpu.memory_space<vmem>>) semaphore(%arg13 : memref<!tpu.dma_semaphore, #tpu.memory_space<semaphore_mem>>) {add = true}
      %dma_wait3A_186 = arith.constant 1 : i32
      %dma_wait3A_187 = arith.constant 0 : i32
      %dma_wait3A_188 = arith.constant 0 : i32
      %dma_wait3A_189 = tpu.memref_slice %arg9[%dma_wait3A_186, %dma_wait3A_187, %dma_wait3A_188] : memref<2x128x128xf32, #tpu.memory_space<vmem>> -> memref<1x128x128xf32, #tpu.memory_space<vmem>>
      %dma_wait3A_190 = tpu.memref_squeeze %dma_wait3A_189 : memref<1x128x128xf32, #tpu.memory_space<vmem>> -> memref<128x128xf32, #tpu.memory_space<vmem>>
      %dma_wait3A_191 = arith.constant 0 : i32
      %dma_wait3A_192 = tpu.memref_slice %arg8[%add3A_163, %dma_wait3A_191] : memref<40x128xi32, #tpu.memory_space<vmem>> -> memref<1x128xi32, #tpu.memory_space<vmem>>
      %dma_wait3A_193 = tpu.memref_squeeze %dma_wait3A_192 : memref<1x128xi32, #tpu.memory_space<vmem>> -> memref<128xi32, #tpu.memory_space<vmem>>
      %dma_wait3A_194 = arith.constant 0 : i32
      %dma_wait3A_195 = arith.constant 0 : i32
      %dma_wait3A_196 = tpu.memref_slice %arg10[%dma_wait3A_194, %dma_wait3A_195] : memref<10240x128xf32, #tpu.memory_space<vmem_shared>> -> memref<10240x128xf32, #tpu.memory_space<vmem_shared>>
      tpu.wait_indirect_dma semaphore(%arg13 : memref<!tpu.dma_semaphore, #tpu.memory_space<semaphore_mem>>) src(%dma_wait3A_190 : memref<128x128xf32, #tpu.memory_space<vmem>>) dst(%dma_wait3A_196 : memref<10240x128xf32, #tpu.memory_space<vmem_shared>>)
      %add3A_197 = arith.constant 2 : i32
      %add3A_198 = arith.addi %add3A_163, %add3A_197 : i32
      %lt3A_199 = arith.constant 40 : i32
      %lt3A_200 = arith.cmpi slt, %add3A_198, %lt3A_199 : i32
      %convert_element_type3A_201 = arith.extui %lt3A_200 : i1 to i32
      %cond3A_202 = arith.constant 0 : i32
      %cond3A_203 = arith.cmpi ne, %convert_element_type3A_201, %cond3A_202 : i32
      scf.if %cond3A_203 {
        %add3A_204 = arith.constant 2 : i32
        %add3A_205 = arith.addi %add3A_163, %add3A_204 : i32
        %dma_start3A_206 = arith.constant 1 : i32
        %dma_start3A_207 = arith.constant 0 : i32
        %dma_start3A_208 = arith.constant 0 : i32
        %dma_start3A_209 = tpu.memref_slice %arg9[%dma_start3A_206, %dma_start3A_207, %dma_start3A_208] : memref<2x128x128xf32, #tpu.memory_space<vmem>> -> memref<1x128x128xf32, #tpu.memory_space<vmem>>
        %dma_start3A_210 = tpu.memref_squeeze %dma_start3A_209 : memref<1x128x128xf32, #tpu.memory_space<vmem>> -> memref<128x128xf32, #tpu.memory_space<vmem>>
        %dma_start3A_211 = arith.constant 0 : i32
        %dma_start3A_212 = tpu.memref_slice %arg7[%add3A_205, %dma_start3A_211] : memref<40x128xi32, #tpu.memory_space<vmem>> -> memref<1x128xi32, #tpu.memory_space<vmem>>
        %dma_start3A_213 = tpu.memref_squeeze %dma_start3A_212 : memref<1x128xi32, #tpu.memory_space<vmem>> -> memref<128xi32, #tpu.memory_space<vmem>>
        %dma_start3A_214 = arith.constant 0 : i32
        %dma_start3A_215 = arith.constant 0 : i32
        %dma_start3A_216 = tpu.memref_slice %arg4[%dma_start3A_214, %dma_start3A_215] : memref<10000x128xf32, #tpu.memory_space<hbm>> -> memref<10000x128xf32, #tpu.memory_space<hbm>>
        tpu.enqueue_indirect_dma source(%dma_start3A_216 : memref<10000x128xf32, #tpu.memory_space<hbm>>) target(%dma_start3A_210 : memref<128x128xf32, #tpu.memory_space<vmem>>) offsets(%dma_start3A_213 : memref<128xi32, #tpu.memory_space<vmem>>) semaphore(%arg12 : memref<!tpu.dma_semaphore, #tpu.memory_space<semaphore_mem>>)
      } else {
      }
    }
    %scan3A_58 = arith.constant 20 : i32
    %mul3A_59 = arith.constant 80 : i32
    %mul3A_60 = arith.muli %add3A, %mul3A_59 : i32
    %add3A_61 = arith.constant 40 : i32
    %add3A_62 = arith.addi %mul3A_60, %add3A_61 : i32
    %dma_start3A_63 = arith.constant 0 : i32
    %dma_start3A_64 = tpu.memref_slice %arg2[%add3A_62, %dma_start3A_63] : memref<2560x128xi32, #tpu.memory_space<hbm>> -> memref<40x128xi32, #tpu.memory_space<hbm>>
    %dma_start3A_65 = arith.constant 0 : i32
    %dma_start3A_66 = tpu.memref_slice %arg2[%add3A_62, %dma_start3A_65] : memref<2560x128xi32, #tpu.memory_space<hbm>> -> memref<40x128xi32, #tpu.memory_space<hbm>>
    tpu.enqueue_dma source(%dma_start3A_66 : memref<40x128xi32, #tpu.memory_space<hbm>>) target(%arg7 : memref<40x128xi32, #tpu.memory_space<vmem>>) target_semaphore(%arg11 : memref<!tpu.dma_semaphore, #tpu.memory_space<semaphore_mem>>)
    %dma_wait3A_67 = arith.constant 0 : i32
    %dma_wait3A_68 = tpu.memref_slice %arg2[%add3A_62, %dma_wait3A_67] : memref<2560x128xi32, #tpu.memory_space<hbm>> -> memref<40x128xi32, #tpu.memory_space<hbm>>
    %dma_wait3A_69 = arith.constant 0 : i32
    %dma_wait3A_70 = tpu.memref_slice %arg2[%add3A_62, %dma_wait3A_69] : memref<2560x128xi32, #tpu.memory_space<hbm>> -> memref<40x128xi32, #tpu.memory_space<hbm>>
    tpu.wait_dma2 semaphore(%arg11 : memref<!tpu.dma_semaphore, #tpu.memory_space<semaphore_mem>>) src(%dma_wait3A_70 : memref<40x128xi32, #tpu.memory_space<hbm>>) dst(%arg7 : memref<40x128xi32, #tpu.memory_space<vmem>>)
    %dma_start3A_71 = arith.constant 0 : i32
    %dma_start3A_72 = tpu.memref_slice %arg3[%add3A_62, %dma_start3A_71] : memref<2560x128xi32, #tpu.memory_space<hbm>> -> memref<40x128xi32, #tpu.memory_space<hbm>>
    %dma_start3A_73 = arith.constant 0 : i32
    %dma_start3A_74 = tpu.memref_slice %arg3[%add3A_62, %dma_start3A_73] : memref<2560x128xi32, #tpu.memory_space<hbm>> -> memref<40x128xi32, #tpu.memory_space<hbm>>
    tpu.enqueue_dma source(%dma_start3A_74 : memref<40x128xi32, #tpu.memory_space<hbm>>) target(%arg8 : memref<40x128xi32, #tpu.memory_space<vmem>>) target_semaphore(%arg11 : memref<!tpu.dma_semaphore, #tpu.memory_space<semaphore_mem>>)
    %dma_wait3A_75 = arith.constant 0 : i32
    %dma_wait3A_76 = tpu.memref_slice %arg3[%add3A_62, %dma_wait3A_75] : memref<2560x128xi32, #tpu.memory_space<hbm>> -> memref<40x128xi32, #tpu.memory_space<hbm>>
    %dma_wait3A_77 = arith.constant 0 : i32
    %dma_wait3A_78 = tpu.memref_slice %arg3[%add3A_62, %dma_wait3A_77] : memref<2560x128xi32, #tpu.memory_space<hbm>> -> memref<40x128xi32, #tpu.memory_space<hbm>>
    tpu.wait_dma2 semaphore(%arg11 : memref<!tpu.dma_semaphore, #tpu.memory_space<semaphore_mem>>) src(%dma_wait3A_78 : memref<40x128xi32, #tpu.memory_space<hbm>>) dst(%arg8 : memref<40x128xi32, #tpu.memory_space<vmem>>)
    %dma_start3A_79 = arith.constant 0 : i32
    %dma_start3A_80 = arith.constant 0 : i32
    %dma_start3A_81 = arith.constant 0 : i32
    %dma_start3A_82 = arith.constant 0 : i32
    %dma_start3A_83 = tpu.memref_slice %arg9[%dma_start3A_80, %dma_start3A_81, %dma_start3A_82] : memref<2x128x128xf32, #tpu.memory_space<vmem>> -> memref<1x128x128xf32, #tpu.memory_space<vmem>>
    %dma_start3A_84 = tpu.memref_squeeze %dma_start3A_83 : memref<1x128x128xf32, #tpu.memory_space<vmem>> -> memref<128x128xf32, #tpu.memory_space<vmem>>
    %dma_start3A_85 = arith.constant 0 : i32
    %dma_start3A_86 = tpu.memref_slice %arg7[%dma_start3A_79, %dma_start3A_85] : memref<40x128xi32, #tpu.memory_space<vmem>> -> memref<1x128xi32, #tpu.memory_space<vmem>>
    %dma_start3A_87 = tpu.memref_squeeze %dma_start3A_86 : memref<1x128xi32, #tpu.memory_space<vmem>> -> memref<128xi32, #tpu.memory_space<vmem>>
    %dma_start3A_88 = arith.constant 0 : i32
    %dma_start3A_89 = arith.constant 0 : i32
    %dma_start3A_90 = tpu.memref_slice %arg4[%dma_start3A_88, %dma_start3A_89] : memref<10000x128xf32, #tpu.memory_space<hbm>> -> memref<10000x128xf32, #tpu.memory_space<hbm>>
    tpu.enqueue_indirect_dma source(%dma_start3A_90 : memref<10000x128xf32, #tpu.memory_space<hbm>>) target(%dma_start3A_84 : memref<128x128xf32, #tpu.memory_space<vmem>>) offsets(%dma_start3A_87 : memref<128xi32, #tpu.memory_space<vmem>>) semaphore(%arg12 : memref<!tpu.dma_semaphore, #tpu.memory_space<semaphore_mem>>)
    %dma_start3A_91 = arith.constant 1 : i32
    %dma_start3A_92 = arith.constant 1 : i32
    %dma_start3A_93 = arith.constant 0 : i32
    %dma_start3A_94 = arith.constant 0 : i32
    %dma_start3A_95 = tpu.memref_slice %arg9[%dma_start3A_92, %dma_start3A_93, %dma_start3A_94] : memref<2x128x128xf32, #tpu.memory_space<vmem>> -> memref<1x128x128xf32, #tpu.memory_space<vmem>>
    %dma_start3A_96 = tpu.memref_squeeze %dma_start3A_95 : memref<1x128x128xf32, #tpu.memory_space<vmem>> -> memref<128x128xf32, #tpu.memory_space<vmem>>
    %dma_start3A_97 = arith.constant 0 : i32
    %dma_start3A_98 = tpu.memref_slice %arg7[%dma_start3A_91, %dma_start3A_97] : memref<40x128xi32, #tpu.memory_space<vmem>> -> memref<1x128xi32, #tpu.memory_space<vmem>>
    %dma_start3A_99 = tpu.memref_squeeze %dma_start3A_98 : memref<1x128xi32, #tpu.memory_space<vmem>> -> memref<128xi32, #tpu.memory_space<vmem>>
    %dma_start3A_100 = arith.constant 0 : i32
    %dma_start3A_101 = arith.constant 0 : i32
    %dma_start3A_102 = tpu.memref_slice %arg4[%dma_start3A_100, %dma_start3A_101] : memref<10000x128xf32, #tpu.memory_space<hbm>> -> memref<10000x128xf32, #tpu.memory_space<hbm>>
    tpu.enqueue_indirect_dma source(%dma_start3A_102 : memref<10000x128xf32, #tpu.memory_space<hbm>>) target(%dma_start3A_96 : memref<128x128xf32, #tpu.memory_space<vmem>>) offsets(%dma_start3A_99 : memref<128xi32, #tpu.memory_space<vmem>>) semaphore(%arg12 : memref<!tpu.dma_semaphore, #tpu.memory_space<semaphore_mem>>)
    %scan3A_103 = arith.constant 0 : i32
    %scan3A_104 = arith.constant 20 : i32
    %scan3A_105 = arith.addi %scan3A_103, %scan3A_104 : i32
    %scan3A_106 = arith.constant 1 : i32
    scf.for %scan3A_115 = %scan3A_103 to %scan3A_105 step %scan3A_106  : i32 {
      %mul3A_116 = arith.constant 2 : i32
      %mul3A_117 = arith.muli %scan3A_115, %mul3A_116 : i32
      %add3A_118 = arith.constant 0 : i32
      %add3A_119 = arith.addi %add3A_118, %mul3A_117 : i32
      %add3A_120 = arith.constant 0 : i32
      %add3A_121 = arith.addi %add3A_119, %add3A_120 : i32
      %dma_wait3A_122 = arith.constant 0 : i32
      %dma_wait3A_123 = arith.constant 0 : i32
      %dma_wait3A_124 = arith.constant 0 : i32
      %dma_wait3A_125 = tpu.memref_slice %arg9[%dma_wait3A_122, %dma_wait3A_123, %dma_wait3A_124] : memref<2x128x128xf32, #tpu.memory_space<vmem>> -> memref<1x128x128xf32, #tpu.memory_space<vmem>>
      %dma_wait3A_126 = tpu.memref_squeeze %dma_wait3A_125 : memref<1x128x128xf32, #tpu.memory_space<vmem>> -> memref<128x128xf32, #tpu.memory_space<vmem>>
      %dma_wait3A_127 = arith.constant 0 : i32
      %dma_wait3A_128 = tpu.memref_slice %arg7[%add3A_121, %dma_wait3A_127] : memref<40x128xi32, #tpu.memory_space<vmem>> -> memref<1x128xi32, #tpu.memory_space<vmem>>
      %dma_wait3A_129 = tpu.memref_squeeze %dma_wait3A_128 : memref<1x128xi32, #tpu.memory_space<vmem>> -> memref<128xi32, #tpu.memory_space<vmem>>
      %dma_wait3A_130 = arith.constant 0 : i32
      %dma_wait3A_131 = arith.constant 0 : i32
      %dma_wait3A_132 = tpu.memref_slice %arg4[%dma_wait3A_130, %dma_wait3A_131] : memref<10000x128xf32, #tpu.memory_space<hbm>> -> memref<10000x128xf32, #tpu.memory_space<hbm>>
      tpu.wait_indirect_dma semaphore(%arg12 : memref<!tpu.dma_semaphore, #tpu.memory_space<semaphore_mem>>) src(%dma_wait3A_132 : memref<10000x128xf32, #tpu.memory_space<hbm>>) dst(%dma_wait3A_126 : memref<128x128xf32, #tpu.memory_space<vmem>>)
      %dma_start3A_133 = arith.constant 0 : i32
      %dma_start3A_134 = arith.constant 0 : i32
      %dma_start3A_135 = arith.constant 0 : i32
      %dma_start3A_136 = tpu.memref_slice %arg9[%dma_start3A_133, %dma_start3A_134, %dma_start3A_135] : memref<2x128x128xf32, #tpu.memory_space<vmem>> -> memref<1x128x128xf32, #tpu.memory_space<vmem>>
      %dma_start3A_137 = tpu.memref_squeeze %dma_start3A_136 : memref<1x128x128xf32, #tpu.memory_space<vmem>> -> memref<128x128xf32, #tpu.memory_space<vmem>>
      %dma_start3A_138 = arith.constant 0 : i32
      %dma_start3A_139 = tpu.memref_slice %arg8[%add3A_121, %dma_start3A_138] : memref<40x128xi32, #tpu.memory_space<vmem>> -> memref<1x128xi32, #tpu.memory_space<vmem>>
      %dma_start3A_140 = tpu.memref_squeeze %dma_start3A_139 : memref<1x128xi32, #tpu.memory_space<vmem>> -> memref<128xi32, #tpu.memory_space<vmem>>
      %dma_start3A_141 = arith.constant 0 : i32
      %dma_start3A_142 = arith.constant 0 : i32
      %dma_start3A_143 = tpu.memref_slice %arg10[%dma_start3A_141, %dma_start3A_142] : memref<10240x128xf32, #tpu.memory_space<vmem_shared>> -> memref<10240x128xf32, #tpu.memory_space<vmem_shared>>
      tpu.enqueue_indirect_dma source(%dma_start3A_137 : memref<128x128xf32, #tpu.memory_space<vmem>>) target(%dma_start3A_143 : memref<10240x128xf32, #tpu.memory_space<vmem_shared>>) offsets(%dma_start3A_140 : memref<128xi32, #tpu.memory_space<vmem>>) semaphore(%arg13 : memref<!tpu.dma_semaphore, #tpu.memory_space<semaphore_mem>>) {add = true}
      %dma_wait3A_144 = arith.constant 0 : i32
      %dma_wait3A_145 = arith.constant 0 : i32
      %dma_wait3A_146 = arith.constant 0 : i32
      %dma_wait3A_147 = tpu.memref_slice %arg9[%dma_wait3A_144, %dma_wait3A_145, %dma_wait3A_146] : memref<2x128x128xf32, #tpu.memory_space<vmem>> -> memref<1x128x128xf32, #tpu.memory_space<vmem>>
      %dma_wait3A_148 = tpu.memref_squeeze %dma_wait3A_147 : memref<1x128x128xf32, #tpu.memory_space<vmem>> -> memref<128x128xf32, #tpu.memory_space<vmem>>
      %dma_wait3A_149 = arith.constant 0 : i32
      %dma_wait3A_150 = tpu.memref_slice %arg8[%add3A_121, %dma_wait3A_149] : memref<40x128xi32, #tpu.memory_space<vmem>> -> memref<1x128xi32, #tpu.memory_space<vmem>>
      %dma_wait3A_151 = tpu.memref_squeeze %dma_wait3A_150 : memref<1x128xi32, #tpu.memory_space<vmem>> -> memref<128xi32, #tpu.memory_space<vmem>>
      %dma_wait3A_152 = arith.constant 0 : i32
      %dma_wait3A_153 = arith.constant 0 : i32
      %dma_wait3A_154 = tpu.memref_slice %arg10[%dma_wait3A_152, %dma_wait3A_153] : memref<10240x128xf32, #tpu.memory_space<vmem_shared>> -> memref<10240x128xf32, #tpu.memory_space<vmem_shared>>
      tpu.wait_indirect_dma semaphore(%arg13 : memref<!tpu.dma_semaphore, #tpu.memory_space<semaphore_mem>>) src(%dma_wait3A_148 : memref<128x128xf32, #tpu.memory_space<vmem>>) dst(%dma_wait3A_154 : memref<10240x128xf32, #tpu.memory_space<vmem_shared>>)
      %add3A_155 = arith.constant 2 : i32
      %add3A_156 = arith.addi %add3A_121, %add3A_155 : i32
      %lt3A_157 = arith.constant 40 : i32
      %lt3A_158 = arith.cmpi slt, %add3A_156, %lt3A_157 : i32
      %convert_element_type3A_159 = arith.extui %lt3A_158 : i1 to i32
      %cond3A_160 = arith.constant 0 : i32
      %cond3A_161 = arith.cmpi ne, %convert_element_type3A_159, %cond3A_160 : i32
      scf.if %cond3A_161 {
        %add3A_204 = arith.constant 2 : i32
        %add3A_205 = arith.addi %add3A_121, %add3A_204 : i32
        %dma_start3A_206 = arith.constant 0 : i32
        %dma_start3A_207 = arith.constant 0 : i32
        %dma_start3A_208 = arith.constant 0 : i32
        %dma_start3A_209 = tpu.memref_slice %arg9[%dma_start3A_206, %dma_start3A_207, %dma_start3A_208] : memref<2x128x128xf32, #tpu.memory_space<vmem>> -> memref<1x128x128xf32, #tpu.memory_space<vmem>>
        %dma_start3A_210 = tpu.memref_squeeze %dma_start3A_209 : memref<1x128x128xf32, #tpu.memory_space<vmem>> -> memref<128x128xf32, #tpu.memory_space<vmem>>
        %dma_start3A_211 = arith.constant 0 : i32
        %dma_start3A_212 = tpu.memref_slice %arg7[%add3A_205, %dma_start3A_211] : memref<40x128xi32, #tpu.memory_space<vmem>> -> memref<1x128xi32, #tpu.memory_space<vmem>>
        %dma_start3A_213 = tpu.memref_squeeze %dma_start3A_212 : memref<1x128xi32, #tpu.memory_space<vmem>> -> memref<128xi32, #tpu.memory_space<vmem>>
        %dma_start3A_214 = arith.constant 0 : i32
        %dma_start3A_215 = arith.constant 0 : i32
        %dma_start3A_216 = tpu.memref_slice %arg4[%dma_start3A_214, %dma_start3A_215] : memref<10000x128xf32, #tpu.memory_space<hbm>> -> memref<10000x128xf32, #tpu.memory_space<hbm>>
        tpu.enqueue_indirect_dma source(%dma_start3A_216 : memref<10000x128xf32, #tpu.memory_space<hbm>>) target(%dma_start3A_210 : memref<128x128xf32, #tpu.memory_space<vmem>>) offsets(%dma_start3A_213 : memref<128xi32, #tpu.memory_space<vmem>>) semaphore(%arg12 : memref<!tpu.dma_semaphore, #tpu.memory_space<semaphore_mem>>)
      } else {
      }
      %add3A_162 = arith.constant 1 : i32
      %add3A_163 = arith.addi %add3A_119, %add3A_162 : i32
      %dma_wait3A_164 = arith.constant 1 : i32
      %dma_wait3A_165 = arith.constant 0 : i32
      %dma_wait3A_166 = arith.constant 0 : i32
      %dma_wait3A_167 = tpu.memref_slice %arg9[%dma_wait3A_164, %dma_wait3A_165, %dma_wait3A_166] : memref<2x128x128xf32, #tpu.memory_space<vmem>> -> memref<1x128x128xf32, #tpu.memory_space<vmem>>
      %dma_wait3A_168 = tpu.memref_squeeze %dma_wait3A_167 : memref<1x128x128xf32, #tpu.memory_space<vmem>> -> memref<128x128xf32, #tpu.memory_space<vmem>>
      %dma_wait3A_169 = arith.constant 0 : i32
      %dma_wait3A_170 = tpu.memref_slice %arg7[%add3A_163, %dma_wait3A_169] : memref<40x128xi32, #tpu.memory_space<vmem>> -> memref<1x128xi32, #tpu.memory_space<vmem>>
      %dma_wait3A_171 = tpu.memref_squeeze %dma_wait3A_170 : memref<1x128xi32, #tpu.memory_space<vmem>> -> memref<128xi32, #tpu.memory_space<vmem>>
      %dma_wait3A_172 = arith.constant 0 : i32
      %dma_wait3A_173 = arith.constant 0 : i32
      %dma_wait3A_174 = tpu.memref_slice %arg4[%dma_wait3A_172, %dma_wait3A_173] : memref<10000x128xf32, #tpu.memory_space<hbm>> -> memref<10000x128xf32, #tpu.memory_space<hbm>>
      tpu.wait_indirect_dma semaphore(%arg12 : memref<!tpu.dma_semaphore, #tpu.memory_space<semaphore_mem>>) src(%dma_wait3A_174 : memref<10000x128xf32, #tpu.memory_space<hbm>>) dst(%dma_wait3A_168 : memref<128x128xf32, #tpu.memory_space<vmem>>)
      %dma_start3A_175 = arith.constant 1 : i32
      %dma_start3A_176 = arith.constant 0 : i32
      %dma_start3A_177 = arith.constant 0 : i32
      %dma_start3A_178 = tpu.memref_slice %arg9[%dma_start3A_175, %dma_start3A_176, %dma_start3A_177] : memref<2x128x128xf32, #tpu.memory_space<vmem>> -> memref<1x128x128xf32, #tpu.memory_space<vmem>>
      %dma_start3A_179 = tpu.memref_squeeze %dma_start3A_178 : memref<1x128x128xf32, #tpu.memory_space<vmem>> -> memref<128x128xf32, #tpu.memory_space<vmem>>
      %dma_start3A_180 = arith.constant 0 : i32
      %dma_start3A_181 = tpu.memref_slice %arg8[%add3A_163, %dma_start3A_180] : memref<40x128xi32, #tpu.memory_space<vmem>> -> memref<1x128xi32, #tpu.memory_space<vmem>>
      %dma_start3A_182 = tpu.memref_squeeze %dma_start3A_181 : memref<1x128xi32, #tpu.memory_space<vmem>> -> memref<128xi32, #tpu.memory_space<vmem>>
      %dma_start3A_183 = arith.constant 0 : i32
      %dma_start3A_184 = arith.constant 0 : i32
      %dma_start3A_185 = tpu.memref_slice %arg10[%dma_start3A_183, %dma_start3A_184] : memref<10240x128xf32, #tpu.memory_space<vmem_shared>> -> memref<10240x128xf32, #tpu.memory_space<vmem_shared>>
      tpu.enqueue_indirect_dma source(%dma_start3A_179 : memref<128x128xf32, #tpu.memory_space<vmem>>) target(%dma_start3A_185 : memref<10240x128xf32, #tpu.memory_space<vmem_shared>>) offsets(%dma_start3A_182 : memref<128xi32, #tpu.memory_space<vmem>>) semaphore(%arg13 : memref<!tpu.dma_semaphore, #tpu.memory_space<semaphore_mem>>) {add = true}
      %dma_wait3A_186 = arith.constant 1 : i32
      %dma_wait3A_187 = arith.constant 0 : i32
      %dma_wait3A_188 = arith.constant 0 : i32
      %dma_wait3A_189 = tpu.memref_slice %arg9[%dma_wait3A_186, %dma_wait3A_187, %dma_wait3A_188] : memref<2x128x128xf32, #tpu.memory_space<vmem>> -> memref<1x128x128xf32, #tpu.memory_space<vmem>>
      %dma_wait3A_190 = tpu.memref_squeeze %dma_wait3A_189 : memref<1x128x128xf32, #tpu.memory_space<vmem>> -> memref<128x128xf32, #tpu.memory_space<vmem>>
      %dma_wait3A_191 = arith.constant 0 : i32
      %dma_wait3A_192 = tpu.memref_slice %arg8[%add3A_163, %dma_wait3A_191] : memref<40x128xi32, #tpu.memory_space<vmem>> -> memref<1x128xi32, #tpu.memory_space<vmem>>
      %dma_wait3A_193 = tpu.memref_squeeze %dma_wait3A_192 : memref<1x128xi32, #tpu.memory_space<vmem>> -> memref<128xi32, #tpu.memory_space<vmem>>
      %dma_wait3A_194 = arith.constant 0 : i32
      %dma_wait3A_195 = arith.constant 0 : i32
      %dma_wait3A_196 = tpu.memref_slice %arg10[%dma_wait3A_194, %dma_wait3A_195] : memref<10240x128xf32, #tpu.memory_space<vmem_shared>> -> memref<10240x128xf32, #tpu.memory_space<vmem_shared>>
      tpu.wait_indirect_dma semaphore(%arg13 : memref<!tpu.dma_semaphore, #tpu.memory_space<semaphore_mem>>) src(%dma_wait3A_190 : memref<128x128xf32, #tpu.memory_space<vmem>>) dst(%dma_wait3A_196 : memref<10240x128xf32, #tpu.memory_space<vmem_shared>>)
      %add3A_197 = arith.constant 2 : i32
      %add3A_198 = arith.addi %add3A_163, %add3A_197 : i32
      %lt3A_199 = arith.constant 40 : i32
      %lt3A_200 = arith.cmpi slt, %add3A_198, %lt3A_199 : i32
      %convert_element_type3A_201 = arith.extui %lt3A_200 : i1 to i32
      %cond3A_202 = arith.constant 0 : i32
      %cond3A_203 = arith.cmpi ne, %convert_element_type3A_201, %cond3A_202 : i32
      scf.if %cond3A_203 {
        %add3A_204 = arith.constant 2 : i32
        %add3A_205 = arith.addi %add3A_163, %add3A_204 : i32
        %dma_start3A_206 = arith.constant 1 : i32
        %dma_start3A_207 = arith.constant 0 : i32
        %dma_start3A_208 = arith.constant 0 : i32
        %dma_start3A_209 = tpu.memref_slice %arg9[%dma_start3A_206, %dma_start3A_207, %dma_start3A_208] : memref<2x128x128xf32, #tpu.memory_space<vmem>> -> memref<1x128x128xf32, #tpu.memory_space<vmem>>
        %dma_start3A_210 = tpu.memref_squeeze %dma_start3A_209 : memref<1x128x128xf32, #tpu.memory_space<vmem>> -> memref<128x128xf32, #tpu.memory_space<vmem>>
        %dma_start3A_211 = arith.constant 0 : i32
        %dma_start3A_212 = tpu.memref_slice %arg7[%add3A_205, %dma_start3A_211] : memref<40x128xi32, #tpu.memory_space<vmem>> -> memref<1x128xi32, #tpu.memory_space<vmem>>
        %dma_start3A_213 = tpu.memref_squeeze %dma_start3A_212 : memref<1x128xi32, #tpu.memory_space<vmem>> -> memref<128xi32, #tpu.memory_space<vmem>>
        %dma_start3A_214 = arith.constant 0 : i32
        %dma_start3A_215 = arith.constant 0 : i32
        %dma_start3A_216 = tpu.memref_slice %arg4[%dma_start3A_214, %dma_start3A_215] : memref<10000x128xf32, #tpu.memory_space<hbm>> -> memref<10000x128xf32, #tpu.memory_space<hbm>>
        tpu.enqueue_indirect_dma source(%dma_start3A_216 : memref<10000x128xf32, #tpu.memory_space<hbm>>) target(%dma_start3A_210 : memref<128x128xf32, #tpu.memory_space<vmem>>) offsets(%dma_start3A_213 : memref<128xi32, #tpu.memory_space<vmem>>) semaphore(%arg12 : memref<!tpu.dma_semaphore, #tpu.memory_space<semaphore_mem>>)
      } else {
      }
    }
    %scan3A_107 = arith.constant 20 : i32
    %barrier3A_108 = arith.constant 0 : index
    tpu.barrier barrier_id(%barrier3A_108)
    %lt3A = arith.constant 15 : i32
    %lt3A_109 = arith.cmpi slt, %arg1, %lt3A : i32
    %convert_element_type3A = arith.extui %lt3A_109 : i1 to i32
    %cond3A = arith.constant 0 : i32
    %cond3A_110 = arith.cmpi ne, %convert_element_type3A, %cond3A : i32
    scf.if %cond3A_110 {
      %mul3A_115 = arith.constant 640 : i32
      %mul3A_116 = arith.muli %arg1, %mul3A_115 : i32
      %mul3A_117 = arith.constant 640 : i32
      %mul3A_118 = arith.muli %arg1, %mul3A_117 : i32
      %dma_start3A_119 = arith.constant 0 : i32
      %dma_start3A_120 = tpu.memref_slice %arg6[%arg0, %mul3A_118, %dma_start3A_119] : memref<2x10000x128xf32, #tpu.memory_space<hbm>> -> memref<1x640x128xf32, #tpu.memory_space<hbm>>
      %dma_start3A_121 = tpu.memref_squeeze %dma_start3A_120 : memref<1x640x128xf32, #tpu.memory_space<hbm>> -> memref<640x128xf32, #tpu.memory_space<hbm>>
      %dma_start3A_122 = arith.constant 0 : i32
      %dma_start3A_123 = tpu.memref_slice %arg10[%mul3A_116, %dma_start3A_122] : memref<10240x128xf32, #tpu.memory_space<vmem_shared>> -> memref<640x128xf32, #tpu.memory_space<vmem_shared>>
      tpu.enqueue_dma source(%dma_start3A_123 : memref<640x128xf32, #tpu.memory_space<vmem_shared>>) target(%dma_start3A_121 : memref<640x128xf32, #tpu.memory_space<hbm>>) target_semaphore(%arg14 : memref<!tpu.dma_semaphore, #tpu.memory_space<semaphore_mem>>)
      %dma_wait3A_124 = arith.constant 0 : i32
      %dma_wait3A_125 = tpu.memref_slice %arg6[%arg0, %mul3A_118, %dma_wait3A_124] : memref<2x10000x128xf32, #tpu.memory_space<hbm>> -> memref<1x640x128xf32, #tpu.memory_space<hbm>>
      %dma_wait3A_126 = tpu.memref_squeeze %dma_wait3A_125 : memref<1x640x128xf32, #tpu.memory_space<hbm>> -> memref<640x128xf32, #tpu.memory_space<hbm>>
      %dma_wait3A_127 = arith.constant 0 : i32
      %dma_wait3A_128 = tpu.memref_slice %arg10[%mul3A_116, %dma_wait3A_127] : memref<10240x128xf32, #tpu.memory_space<vmem_shared>> -> memref<640x128xf32, #tpu.memory_space<vmem_shared>>
      tpu.wait_dma2 semaphore(%arg14 : memref<!tpu.dma_semaphore, #tpu.memory_space<semaphore_mem>>) src(%dma_wait3A_128 : memref<640x128xf32, #tpu.memory_space<vmem_shared>>) dst(%dma_wait3A_126 : memref<640x128xf32, #tpu.memory_space<hbm>>)
    } else {
    }
    %eq3A = arith.constant 15 : i32
    %eq3A_111 = arith.cmpi eq, %arg1, %eq3A : i32
    %convert_element_type3A_112 = arith.extui %eq3A_111 : i1 to i32
    %cond3A_113 = arith.constant 0 : i32
    %cond3A_114 = arith.cmpi ne, %convert_element_type3A_112, %cond3A_113 : i32
    scf.if %cond3A_114 {
      %dma_start3A_115 = arith.constant 9600 : i32
      %dma_start3A_116 = arith.constant 0 : i32
      %dma_start3A_117 = tpu.memref_slice %arg6[%arg0, %dma_start3A_115, %dma_start3A_116] : memref<2x10000x128xf32, #tpu.memory_space<hbm>> -> memref<1x400x128xf32, #tpu.memory_space<hbm>>
      %dma_start3A_118 = tpu.memref_squeeze %dma_start3A_117 : memref<1x400x128xf32, #tpu.memory_space<hbm>> -> memref<400x128xf32, #tpu.memory_space<hbm>>
      %dma_start3A_119 = arith.constant 9600 : i32
      %dma_start3A_120 = arith.constant 0 : i32
      %dma_start3A_121 = tpu.memref_slice %arg10[%dma_start3A_119, %dma_start3A_120] : memref<10240x128xf32, #tpu.memory_space<vmem_shared>> -> memref<400x128xf32, #tpu.memory_space<vmem_shared>>
      tpu.enqueue_dma source(%dma_start3A_121 : memref<400x128xf32, #tpu.memory_space<vmem_shared>>) target(%dma_start3A_118 : memref<400x128xf32, #tpu.memory_space<hbm>>) target_semaphore(%arg14 : memref<!tpu.dma_semaphore, #tpu.memory_space<semaphore_mem>>)
      %dma_wait3A_122 = arith.constant 9600 : i32
      %dma_wait3A_123 = arith.constant 0 : i32
      %dma_wait3A_124 = tpu.memref_slice %arg6[%arg0, %dma_wait3A_122, %dma_wait3A_123] : memref<2x10000x128xf32, #tpu.memory_space<hbm>> -> memref<1x400x128xf32, #tpu.memory_space<hbm>>
      %dma_wait3A_125 = tpu.memref_squeeze %dma_wait3A_124 : memref<1x400x128xf32, #tpu.memory_space<hbm>> -> memref<400x128xf32, #tpu.memory_space<hbm>>
      %dma_wait3A_126 = arith.constant 9600 : i32
      %dma_wait3A_127 = arith.constant 0 : i32
      %dma_wait3A_128 = tpu.memref_slice %arg10[%dma_wait3A_126, %dma_wait3A_127] : memref<10240x128xf32, #tpu.memory_space<vmem_shared>> -> memref<400x128xf32, #tpu.memory_space<vmem_shared>>
      tpu.wait_dma2 semaphore(%arg14 : memref<!tpu.dma_semaphore, #tpu.memory_space<semaphore_mem>>) src(%dma_wait3A_128 : memref<400x128xf32, #tpu.memory_space<vmem_shared>>) dst(%dma_wait3A_125 : memref<400x128xf32, #tpu.memory_space<hbm>>)
    } else {
    }
    return
  }
}

module attributes {stable_mosaic.version = 14 : i64} {
  func.func @_tc_matmul_body(%arg0: i32, %arg1: memref<2x2000x128xf32, #tpu.memory_space<vmem>>, %arg2: memref<128x128xf32, #tpu.memory_space<vmem>>, %arg3: memref<1x128xf32, #tpu.memory_space<vmem>>, %arg4: memref<2000x128xf32, #tpu.memory_space<vmem>>) attributes {dimension_semantics = [#tpu.dimension_semantics<arbitrary>], iteration_bounds = array<i64: 5>, scalar_prefetch = 0 : i64, scratch_operands = 0 : i64, tpu.core_type = #tpu.core_type<tc>, window_params = [{transform_indices = @transform_0, window_bounds = array<i64: 2, 2000, 128>}, {pipeline_mode = #tpu.pipeline_mode<synchronous>, transform_indices = @transform_1, window_bounds = array<i64: 128, 128>}, {pipeline_mode = #tpu.pipeline_mode<synchronous>, transform_indices = @transform_2, window_bounds = array<i64: 1, 128>}, {transform_indices = @transform_3, window_bounds = array<i64: 2000, 128>}]} {
    %get3A = arith.constant 0 : index
    %get3A_0 = arith.constant 0 : index
    %get3A_1 = arith.constant 0 : index
    %get3A_2 = vector.load %arg1[%get3A, %get3A_0, %get3A_1] : memref<2x2000x128xf32, #tpu.memory_space<vmem>>, vector<1x2000x128xf32>
    %get3A_3 = vector.shape_cast %get3A_2 : vector<1x2000x128xf32> to vector<2000x128xf32>
    %get3A_4 = arith.constant 1 : index
    %get3A_5 = arith.constant 0 : index
    %get3A_6 = arith.constant 0 : index
    %get3A_7 = vector.load %arg1[%get3A_4, %get3A_5, %get3A_6] : memref<2x2000x128xf32, #tpu.memory_space<vmem>>, vector<1x2000x128xf32>
    %get3A_8 = vector.shape_cast %get3A_7 : vector<1x2000x128xf32> to vector<2000x128xf32>
    %add3A = arith.addf %get3A_3, %get3A_8 : vector<2000x128xf32>
    %get3A_9 = arith.constant 0 : index
    %get3A_10 = arith.constant 0 : index
    %get3A_11 = vector.load %arg2[%get3A_9, %get3A_10] : memref<128x128xf32, #tpu.memory_space<vmem>>, vector<128x128xf32>
    %dot_general3A = arith.constant dense<0.000000e+00> : vector<2000x128xf32>
    %dot_general3A_12 = tpu.matmul %add3A, %get3A_11, %dot_general3A {dimension_numbers = #tpu.dot_dimension_numbers<[1], [0], [0], [1], [0, 0, 1, 1], [], []>, transpose_lhs_hint = false} : vector<2000x128xf32>, vector<128x128xf32>, vector<2000x128xf32> -> vector<2000x128xf32>
    %get3A_13 = arith.constant 0 : index
    %get3A_14 = arith.constant 0 : index
    %get3A_15 = vector.load %arg3[%get3A_13, %get3A_14] : memref<1x128xf32, #tpu.memory_space<vmem>>, vector<1x128xf32>
    %add3A_16 = vector.broadcast %get3A_15 : vector<1x128xf32> to vector<2000x128xf32>
    %add3A_17 = arith.addf %dot_general3A_12, %add3A_16 : vector<2000x128xf32>
    %swap3A = arith.constant 0 : index
    %swap3A_18 = arith.constant 0 : index
    %swap3A_19 = vector.load %arg4[%swap3A, %swap3A_18] : memref<2000x128xf32, #tpu.memory_space<vmem>>, vector<2000x128xf32>
    tpu.vector_store %arg4[%swap3A, %swap3A_18], %add3A_17 {strides = array<i32>} : memref<2000x128xf32, #tpu.memory_space<vmem>>, vector<2000x128xf32>,
    return
  }
  func.func @transform_0(%arg0: i32) -> (i32, i32, i32) {
    %c0_i32 = arith.constant 0 : i32
    %c0_i32_0 = arith.constant 0 : i32
    %c0_i32_1 = arith.constant 0 : i32
    return %c0_i32, %arg0, %c0_i32_0 : i32, i32, i32
  }
  func.func @transform_1(%arg0: i32) -> (i32, i32) {
    %c0_i32 = arith.constant 0 : i32
    %c0_i32_0 = arith.constant 0 : i32
    %c0_i32_1 = arith.constant 0 : i32
    return %c0_i32, %c0_i32_0 : i32, i32
  }
  func.func @transform_2(%arg0: i32) -> (i32, i32) {
    %c0_i32 = arith.constant 0 : i32
    %c0_i32_0 = arith.constant 0 : i32
    %c0_i32_1 = arith.constant 0 : i32
    return %c0_i32, %c0_i32_0 : i32, i32
  }
  func.func @transform_3(%arg0: i32) -> (i32, i32) {
    %c0_i32 = arith.constant 0 : i32
    %c0_i32_0 = arith.constant 0 : i32
    return %arg0, %c0_i32 : i32, i32
  }
}

</mosaic_0001>

<sc_bundles>
// kernel: kernel.4.cloned.1.call-start
scs
__scs_entry_jumppad:
0x0: {  	(pc) =	sbr.rel $0x88, $3  }
0x1: {  	(tag) =	ssettag $0x0;
	lr =	simm.s32 $0x1  }
0x2: {  	[smem:$0x3F9D] =	sst lr;
	_ =	strace $0xD0000000  }
0x3: {  	_ = 	snop  }
0x4: {  	_ = 	snop  }
0x5: {  	_ = 	snop  }
0x6: {  	_ = 	snop  }
0x7: {  	_ = 	snop  }
__scs_overlays_trampoline_lowered:
0x8: {  	[smem:$0x3FAC] =	sst s0  }
0x9: {  	[smem:$0x3FAD] =	sst s1  }
0xa: {  	[smem:$0x3FAE] =	sst s2  }
0xb: {  	[smem:$0x3FAF] =	sst s3  }
0xc: {  	[smem:$0x3FB0] =	sst s4  }
0xd: {  	[smem:$0x3FB1] =	sst s5  }
0xe: {  	[smem:$0x3FB2] =	sst s6  }
0xf: {  	[smem:$0x3FB3] =	sst s7  }
0x10: {  	[smem:$0x3FB4] =	sst s8  }
0x11: {  	[smem:$0x3FB5] =	sst s9;
	s0 =	simm.s32 @!p0 $0x0  }
0x12: {  	s1 =	sld [smem:$0x3F9B];
	s0 =	simm.s32 @p0 $0x1  }
0x13: {  	[smem:$0x3FB6] =	sst s0;
	s0 =	simm.s32 @!p1 $0x0  }
0x14: {  	s2 =	sld [smem:$0x3F9A];
	s0 =	simm.s32 @p1 $0x1  }
0x15: {  	[smem:$0x3FB7] =	sst s0;
	s0 =	simm.s32 @!p2 $0x0  }
0x16: {  	s3 =	sld [smem:$0x3FDB];
	s0 =	simm.s32 @p2 $0x1  }
0x17: {  	s4 =	simm.s32 $0x1BF5;
	[smem:$0x3FB9] =	sst s0  }
0x18: {  	s0 =	sld [smem:$0x3F9C];
	_ =	swait.ge [sflag:s4], $0x0  }
0x19: {  	s7 =	sld [smem:$0x3F9D]  }
0x1a: {  	s8 =	sadd.s32 $0xFFFFE003, lr  }
0x1b: {  	s9 =	sadd.s32 $0xFFFFFEF7, lr;
	s5 =	simm.s32 $0xFFFFFFFF;
	p2 =	slt.u32 s8, $0xFFFFF086  }
0x1c: {  	p1 =	slt.u32 s9, $0xF7A;
	s5 =	simm.s32 @!p2 $0x0  }
0x1d: {  	s5 =	simm.s32 @p1 $0x1;
	p0 =	seq.s32 s7, s2  }
0x1e: {  	s7 =	smul.u32 @!p0 $0xF7A, s2;
	p2 =	seq.s32 @!p0 s5, $0x0  }
0x1f: {  	s9 =	smul.u32 $0xF7A, s1;
	s8 =	simm.s32 @!p0 $0x1BF5;
	p2 =	por !p2, p0  }
0x20: {  	[sflag:s8] =	ssyncset.s32 @!p0 $0xFFFFF086;
	s6 =	sadd.s32 @!p0 s3, s7;
	s7 =	simm.s32 @!p0 $0x108  }
0x21: {  	s3 =	sadd.s32 s3, s9;
	s6 =	sadd.s32 @!p0 $0x88, s6;
	s7 =	simm.s32 @p2 $0x1082  }
0x22: {  	[simem:s7], [sflag:s8] =	dma.local @!p0 [hbm:s6], $0xF7A  }
0x23: {  	s9 =	sor.u32 $0xD0000000, s2;
	s6 =	simm.s32 $0x108;
	_ =	swait.ge @!p0 [sflag:s8], $0x0  }
0x24: {  	s3 =	sadd.s32 $0x88, s3;
	s6 =	simm.s32 @!p1 $0x1082;
	[sflag:s4] =	ssyncset.s32 $0xFFFFF086  }
0x25: {  	[simem:s6], [sflag:s4] =	dma.local [hbm:s3], $0xF7A  }
0x26: {  	[smem:$0x3F9D] =	sst s1;
	(tag) =	ssettag s2;
	_ =	strace s9  }
0x27: {  	s1 =	sld [smem:$0x3FAD]  }
0x28: {  	s2 =	sld [smem:$0x3FAE]  }
0x29: {  	s4 =	sld [smem:$0x3FB0]  }
0x2a: {  	p0 =	seq.s32 s5, $0x0;
	s5 =	sld [smem:$0x3FB1]  }
0x2b: {  	s6 =	sld [smem:$0x3FB2]  }
0x2c: {  	s7 =	sld [smem:$0x3FB3]  }
0x2d: {  	s3 =	simm.s32 $0x108;
	s8 =	sld [smem:$0x3FB4]  }
0x2e: {  	s3 =	simm.s32 @!p0 $0x1082;
	s9 =	sld [smem:$0x3FB5]  }
0x2f: {  	lr =	sadd.s32 s0, s3;
	s0 =	sld [smem:$0x3FAC]  }
0x30: {  	s3 =	sld [smem:$0x3FAF]  }
0x31: {  	[smem:$0x3FB8] =	sst s10  }
0x32: {  	s10 =	sld [smem:$0x3FB6];
	_ =	sdelay $0x3  }
0x33: {  	p0 =	seq.s32 s10, $0x1;
	s10 =	sld [smem:$0x3FB8];
	_ =	sdelay $0x3  }
0x34: {  	[smem:$0x3FB8] =	sst s10  }
0x35: {  	s10 =	sld [smem:$0x3FB7];
	_ =	sdelay $0x3  }
0x36: {  	p1 =	seq.s32 s10, $0x1;
	s10 =	sld [smem:$0x3FB8];
	_ =	sdelay $0x3  }
0x37: {  	[smem:$0x3FB8] =	sst s10  }
0x38: {  	s10 =	sld [smem:$0x3FB9]  }
0x39: {  	_ = 	snop;
	(pc) =	sbr.ind lr, $3  }
0x3a: {  	_ = 	snop  }
0x3b: {  	_ = 	snop  }
0x3c: {  	p2 =	seq.s32 s10, $0x1;
	s10 =	sld [smem:$0x3FB8]  }
0x3d: {  	_ =	shalt  }
0x3e: {  	_ =	shalt  }
0x3f: {  	_ =	shalt  }
0x40: {  	_ =	shalt  }
0x41: {  	_ =	shalt  }
0x42: {  	_ =	shalt  }
0x43: {  	_ =	shalt  }
0x44: {  	_ =	shalt  }
0x45: {  	_ =	shalt  }
0x46: {  	_ =	shalt  }
0x47: {  	_ =	shalt  }
0x48: {  	_ =	shalt  }
0x49: {  	_ =	shalt  }
0x4a: {  	_ =	shalt  }
0x4b: {  	_ =	shalt  }
0x4c: {  	_ =	shalt  }
0x4d: {  	_ =	shalt  }
0x4e: {  	_ =	shalt  }
0x4f: {  	_ =	shalt  }
0x50: {  	_ =	shalt  }
0x51: {  	_ =	shalt  }
0x52: {  	_ =	shalt  }
0x53: {  	_ =	shalt  }
0x54: {  	_ =	shalt  }
0x55: {  	_ =	shalt  }
0x56: {  	_ =	shalt  }
0x57: {  	_ =	shalt  }
0x58: {  	_ =	shalt  }
0x59: {  	_ =	shalt  }
0x5a: {  	_ =	shalt  }
0x5b: {  	_ =	shalt  }
0x5c: {  	_ =	shalt  }
0x5d: {  	_ =	shalt  }
0x5e: {  	_ =	shalt  }
0x5f: {  	_ =	shalt  }
0x60: {  	_ =	shalt  }
0x61: {  	_ =	shalt  }
0x62: {  	_ =	shalt  }
0x63: {  	_ =	shalt  }
0x64: {  	_ =	shalt  }
0x65: {  	_ =	shalt  }
0x66: {  	_ =	shalt  }
0x67: {  	_ =	shalt  }
0x68: {  	_ =	shalt  }
0x69: {  	_ =	shalt  }
0x6a: {  	_ =	shalt  }
0x6b: {  	_ =	shalt  }
0x6c: {  	_ =	shalt  }
0x6d: {  	_ =	shalt  }
0x6e: {  	_ =	shalt  }
0x6f: {  	_ =	shalt  }
0x70: {  	_ =	shalt  }
0x71: {  	_ =	shalt  }
0x72: {  	_ =	shalt  }
0x73: {  	_ =	shalt  }
0x74: {  	_ =	shalt  }
0x75: {  	_ =	shalt  }
0x76: {  	_ =	shalt  }
0x77: {  	_ =	shalt  }
0x78: {  	_ =	shalt  }
0x79: {  	_ =	shalt  }
0x7a: {  	_ =	shalt  }
0x7b: {  	_ =	shalt  }
0x7c: {  	_ =	shalt  }
0x7d: {  	_ =	shalt  }
0x7e: {  	_ =	shalt  }
0x7f: {  	_ =	shalt  }
0x80: {  	_ =	shalt  }
0x81: {  	_ =	shalt  }
0x82: {  	_ =	shalt  }
0x83: {  	_ =	shalt  }
0x84: {  	_ =	shalt  }
0x85: {  	_ =	shalt  }
0x86: {  	_ =	shalt  }
0x87: {  	_ =	shalt  }
.Lfunc_end0:
.L_simem_size_0:
called_computation_lowered:
.L_overlay_start_0:
0x88: {  	s2 =	sld [smem:$0x3FD9]  }
0x89: {  	s3 =	sld [smem:$0x3FFE];
	_ =	sdelay $0x1  }
0x8a: {  	s1 =	srdreg.scid  }
0x8b: {  	s0 =	sand.u32 $0x1, s1  }
0x8c: {  	s17 =	sshll.u32 s0, $0xA;
	s2 =	sadd.s32 s3, s2  }
0x8d: {  	s2 =	sadd.s32 s2, s17  }
0x8e: {  	[smem:$0x3FC4] =	sst s2  }
0x8f: {  	_ = 	snop  }
0x90: {  	s2 =	sld [smem:$0x3FC9]  }
0x91: {  	s18 =	sld [smem:$0x3FD0];
	(tm) =	ssettm $0x1  }
0x92: {  	s4 =	sld [smem:$0x3FFB];
	_ =	sdelay $0x3  }
0x93: {  	_ =	strace s4  }
0x94: {  	s4 =	sld [smem:$0x3FFC];
	_ =	sdelay $0x3  }
0x95: {  	_ =	strace s4  }
0x96: {  	s4 =	sld [smem:$0x3FFD];
	_ =	sdelay $0x3  }
0x97: {  	_ =	strace s4  }
0x98: {  	_ =	strace $0x8FFFFFFF  }
0x99: {  	s19 =	sld [smem:$0x3FDB];
	_ =	sdelay $0x1  }
0x9a: {  	s5 =	simm.s32 $_scs_section_size  }
0x9b: {  	s6 =	simm.s32 $_size__tile_overlayer_lowered;
	s7 =	simm.s32 $_tile_overlayer_lowered  }
0x9c: {  	s22 =	simm.s32 $0x1BFF;
	s21 =	sshll.u32 s7, $0x1;
	s4 =	sadd.s32 s5, s19  }
0x9d: {  	s8 =	simm.s32 $0x0;
	s20 =	sshll.u32 s6, $0x1;
	s6 =	sadd.s32 s21, s4  }
0x9e: {  	[timem:s8], [sflag:s22] =	dma.local [hbm:s6], s20  }
0x9f: {  	_ =	swait.ge [sflag:s22], s20  }
0xa0: {  	s5 =	ssub.s32 $0x0, s20;
	[sflag:s22] =	ssyncset.done $0x0  }
0xa1: {  	[sflag:s22] =	ssyncadd.s32 s5;
	_ =	sdelay $0x1  }
0xa2: {  	s23 =	simm.s32 $0x1B8B  }
0xa3: {  	_ =	swait.ge [sflag:s23], $0x1  }
0xa4: {  	[sflag:s23] =	ssyncset.done $0x0  }
0xa5: {  	s25 =	simm.s32 $0x1B8E;
	s24 =	sld [smem:$0x3FFE];
	[sflag:s23] =	ssyncadd.s32 $0xFFFFFFFF  }
0xa6: {  	s26 =	simm.s32 $execute0_lowered;
	[smem:$0x3FD2] =	sst s25  }
0xa7: {  	s6 =	sshll.u32 s26, $0x1;
	_ =	strace $0x80000046;
	[dreg:$0x1] =	wrdreg $0xFFFFFFFF  }
0xa8: {  	s28 =	simm.s32 $_size_execute0_lowered;
	s4 =	sadd.s32 s4, s6;
	[dreg:$0x0] =	wrdreg $0x0  }
0xa9: {  	s6 =	sshll.u32 s28, $0x1;
	[dreg:$0x2] =	wrdreg s4  }
0xaa: {  	[dreg:$0x3] =	wrdreg s6  }
0xab: {  	[dreg:$0x4] =	wrdreg $0xC0  }
0xac: {  	_ =	task [dreg:s8], $0x5FFFF  }
0xad: {  	[dreg:$0x1] =	wrdreg $0xFFFFFFFF  }
0xae: {  	[dreg:$0x0] =	wrdreg $0x60  }
0xaf: {  	[dreg:$0x2] =	wrdreg s18  }
0xb0: {  	[dreg:$0x3] =	wrdreg s24  }
0xb1: {  	[dreg:$0x4] =	wrdreg s2  }
0xb2: {  	[dreg:$0x5] =	wrdreg $0xA8000  }
0xb3: {  	[dreg:$0x6] =	wrdreg $0x9  }
0xb4: {  	_ =	task.clear_ibuf [dreg:s8], $0x7FFFF;
	_ =	strace $0x90000046  }
0xb5: {  	s29 =	simm.s32 $0x9;
	_ =	strace $0x80000048  }
0xb6: {  	_ =	swait.ge [sflag:s29], $0x1  }
0xb7: {  	[sflag:s29] =	ssyncadd.s32 $0xFFFFFFFF  }
0xb8: {  	_ =	strace $0x90000048  }
0xb9: {  	_ =	sfence  }
0xba: {  	s30 =	sld [smem:$0x0];
	_ =	sdelay $0x2  }
0xbb: {  	s31 =	sshll.u32 s1, $0xD;
	s1 =	sshrl.u32 s1, $0x2  }
0xbc: {  	s3 =	sand.u32 $0x4000, s31;
	s1 =	sadd.s32 s1, s30  }
0xbd: {  	s0 =	sor.u32 s3, s0;
	s1 =	sshll.u32 s1, $0x11  }
0xbe: {  	s0 =	sor.u32 s1, s0  }
0xbf: {  	s0 =	sadd.s32 $0x8F2B, s0  }
0xc0: {  	[sflag:s0] =	ssyncadd.remote.s32 $0x1  }
0xc1: {  	_ =	sfence.sel $0xFFFF  }
0xc2: {  	[dreg:$0x0] =	wrdreg $0xFFFFFFFF;
	(pc) =	sbr.abs _section_cstart, $3  }
0xc3: {  	[dreg:$0x1] =	wrdreg $0xFFFFFFFF  }
0xc4: {  	_ =	task.clear_ibuf [dreg:s8], $0x2FFFF;
	_ =	strace $0x9FFFFFFF  }
0xc5: {  	(tm) =	ssettm $0x7FFFFFFF  }
tec
execute0_lowered:
.L_overlay_start_1:
0x0: {  	(tag) =	ssettag $0x1  }
0x1: {  	s10 =	rddreg [dreg:$0x0]  }
0x2: {  	s5 =	rddreg [dreg:$0x1]  }
0x3: {  	s2 =	rddreg [dreg:$0x2]  }
0x4: {  	s3 =	rddreg [dreg:$0x3]  }
0x5: {  	s0 =	rddreg [dreg:$0x4];
	s4 =	simm.s32 $0x0;
	s1 =	stileid.u32  }
0x6: {  	s7 =	srdreg.scid;
	s18 =	simm.s32 $0x1;
	s19 =	simm.s32 $0x80  }
0x7: {  	s20 =	simm.s32 $0x2800;
	s21 =	simm.s32 $0x6800;
	s22 =	simm.s32 $0x2  }
0x8: {  	s23 =	simm.s32 $0x3;
	s24 =	simm.s32 $0x2700;
	s28 =	simm.s32 $0x0  }
0x9: {  	[smem:$0x7FF] =	sst s4;
	s11 =	smul.u32 $0x14000, s1;
	s12 =	sadd.s32 $0x400, s5  }
0xa: {  	s8 =	sand.u32 $0x1, s7;
	s25 =	smul.u32 $0x50000, s1;
	s13 =	sadd.s32 $0x32400, s5  }
0xb: {  	s9 =	sshll.u32 s1, $0x1;
	s29 =	sshll.u32 s1, $0x6;
	p0 =	seq.s32 s1, $0xF  }
0xc: {  	_ =	strace $0x80000047;
	s9 =	sor.u32 s8, s9;
	s16 =	smul.u32 $0x138800, s8  }
0xd: {  	s26 =	ssub.s32 $0x2, s8;
	s6 =	sshrl.u32 s11, $0x3;
	s15 =	smul.u32 $0x2800, s9  }
0xe: {  	s14 =	sshrl.u32 s26, $0x1;
	s7 =	sshrl.u32 s25, $0x2;
	s9 =	smul.u32 $0x500, s9  }
0xf: {  	s25 =	sadd.s32 $0x12C000, s3;
	s6 =	sadd.s32 s6, s5;
	s14 =	ssub.s32 s26, s14  }
0x10: {  	s5 =	sadd.s32 s7, s3;
	s7 =	sor.u32 $0x1C04, s29;
	s17 =	sadd.s32 s11, s16  }
0x11: {  	s16 =	sshrl.u32 s16, $0x3;
	s25 =	sshrl.u32 @p0 s25, $0x3;
	s26 =	simm.s32 $0x2780  }
0x12: {  	s6 =	sadd.s32 $0xA400, s6;
	s15 =	sshrl.u32 s15, $0x3;
	s8 =	sadd.s32 s10, s9  }
0x13: {  	s9 =	sadd.s32 s12, s9;
	s30 =	sshrl.u32 s17, $0x3;
	s31 =	sadd.s32 s13, s16  }
0x14: {  	s14 =	smax.u32 s14, $0x1;
	s16 =	simm.s32 $0x1400;
	s15 =	sadd.s32 $0x280, s15  }
0x15: {  	s17 =	simm.s32 $0x4;
	s10 =	sadd.s32 s10, s15;
	s11 =	sadd.s32 s12, s15  }
0x16: {  	s12 =	sadd.s32 s13, s30;
	s13 =	sadd.s32 $0x25800, s31;
	s15 =	sshrl.u32 s5, $0x3  }
.LBB2_1:
0x17: {  	[spmem:s15], [sflag:s7] =	dma.local [hbm:s6], $0x2800  }
0x18: {  	[tilespmem:s4], [sflag:$0x1] =	stream.linear.gather [hbm4b:s8+s4], $0x1400, $0x38;
	[tilespmem:$0x1E800] =	vst v63  }
0x19: {  	_ = 	snop  }
0x1a: {  	[tilespmem:s16], [sflag:$0x1] =	stream.linear.gather [hbm4b:s9+s4], $0x1400, $0x38;
	[tilespmem:$0x1E800] =	vst v63  }
0x1b: {  	_ =	swait.ge [sflag:s17], $0x2800  }
0x1c: {  	[sflag:s17] =	ssyncset.done $0x0  }
0x1d: {  	[sflag:s17] =	ssyncadd.s32 $0xFFFFD800  }
0x1e: {  	[bflag:$0x0] =	sbarrier.arrive $0xFFFF  }
0x1f: {  	_ =	swait.ge [sflag:s18], $0x1400  }
0x20: {  	[sflag:s18] =	ssyncset.done $0x0  }
0x21: {  	[sflag:s18] =	ssyncadd.s32 $0xFFFFEC00  }
0x22: {  	_ =	swait.ge [sflag:s18], $0x1400  }
0x23: {  	[sflag:s18] =	ssyncset.done $0x0  }
0x24: {  	[sflag:s18] =	ssyncadd.s32 $0xFFFFEC00  }
0x25: {  	[tilespmem:s20], [sflag:$0x2] =	stream.indirect.gather [hbm4b:s2+s19], $0x80, s4, s19, $0xb8;
	[tilespmem:$0x1E800] =	vst v63  }
0x26: {  	_ = 	snop  }
0x27: {  	[tilespmem:s21], [sflag:$0x2] =	stream.indirect.gather [hbm4b:s2+s19], $0x80, s19, s19, $0xb8;
	[tilespmem:$0x1E800] =	vst v63  }
0x28: {  	_ =	swait.ge [sflag:s22], $0x4000  }
0x29: {  	[sflag:s22] =	ssyncset.done $0x0  }
0x2a: {  	s29 =	simm.s32 $0x1400;
	[sflag:s22] =	ssyncadd.s32 $0xFFFFC000  }
0x2b: {  	[spmem:s3] =	stream.indirect.scatter.add.f32 [tilespmem:s20], [sflag:$0x3], $0x80, s29, s19, $0xb8;
	[tilespmem:$0x1E800] =	vst v63  }
0x2c: {  	_ =	swait.ge [sflag:s23], $0x4000  }
0x2d: {  	[sflag:s23] =	ssyncset.done $0x0  }
0x2e: {  	s29 =	simm.s32 $0x100;
	[sflag:s23] =	ssyncadd.s32 $0xFFFFC000  }
0x2f: {  	[tilespmem:s20], [sflag:$0x2] =	stream.indirect.gather [hbm4b:s2+s19], $0x80, s29, s19, $0xb8;
	[tilespmem:$0x1E800] =	vst v63  }
0x30: {  	_ =	swait.ge [sflag:s22], $0x4000  }
0x31: {  	[sflag:s22] =	ssyncset.done $0x0  }
0x32: {  	s29 =	simm.s32 $0x1480;
	[sflag:s22] =	ssyncadd.s32 $0xFFFFC000  }
0x33: {  	[spmem:s3] =	stream.indirect.scatter.add.f32 [tilespmem:s21], [sflag:$0x3], $0x80, s29, s19, $0xb8;
	[tilespmem:$0x1E800] =	vst v63  }
0x34: {  	_ =	swait.ge [sflag:s23], $0x4000  }
0x35: {  	[sflag:s23] =	ssyncset.done $0x0  }
0x36: {  	s30 =	simm.s32 $0x180;
	s29 =	simm.s32 $0x400;
	[sflag:s23] =	ssyncadd.s32 $0xFFFFC000  }
.LBB2_2:
0x37: {  	[tilespmem:s21], [sflag:$0x2] =	stream.indirect.gather [hbm4b:s2+s19], $0x80, s30, s19, $0xb8;
	[tilespmem:$0x1E800] =	vst v63  }
0x38: {  	s30 =	smov.u32 s29  }
0x39: {  	p1 =	sne.s32 s29, $0x4800;
	s29 =	sadd.s32 $0x400, s29;
	_ =	swait.ge [sflag:s22], $0x4000  }
0x3a: {  	s30 =	sshra.s32 s30, $0x2;
	[sflag:s22] =	ssyncset.done $0x0  }
0x3b: {  	s31 =	sadd.s32 $0x1400, s30;
	[sflag:s22] =	ssyncadd.s32 $0xFFFFC000  }
0x3c: {  	[spmem:s3] =	stream.indirect.scatter.add.f32 [tilespmem:s20], [sflag:$0x3], $0x80, s31, s19, $0xb8;
	[tilespmem:$0x1E800] =	vst v63  }
0x3d: {  	_ =	swait.ge [sflag:s23], $0x4000  }
0x3e: {  	[sflag:s23] =	ssyncset.done $0x0  }
0x3f: {  	s31 =	sadd.s32 $0x100, s30;
	[sflag:s23] =	ssyncadd.s32 $0xFFFFC000  }
0x40: {  	[tilespmem:s20], [sflag:$0x2] =	stream.indirect.gather [hbm4b:s2+s19], $0x80, s31, s19, $0xb8;
	[tilespmem:$0x1E800] =	vst v63  }
0x41: {  	_ =	swait.ge [sflag:s22], $0x4000  }
0x42: {  	[sflag:s22] =	ssyncset.done $0x0  }
.Ltmp0:
0x43: {  	s31 =	sadd.s32 $0x1480, s30;
	[sflag:s22] =	ssyncadd.s32 $0xFFFFC000;
	(pc) =	sbr.rel @p1 .LBB2_2-.Ltmp0, $4  }
0x44: {  	[spmem:s3] =	stream.indirect.scatter.add.f32 [tilespmem:s21], [sflag:$0x3], $0x80, s31, s19, $0xb8;
	[tilespmem:$0x1E800] =	vst v63  }
0x45: {  	_ =	swait.ge [sflag:s23], $0x4000  }
0x46: {  	[sflag:s23] =	ssyncset.done $0x0  }
0x47: {  	s30 =	sadd.s32 $0x180, s30;
	[sflag:s23] =	ssyncadd.s32 $0xFFFFC000  }
0x48: {  	[tilespmem:s21], [sflag:$0x2] =	stream.indirect.gather [hbm4b:s2+s19], $0x80, s30, s19, $0xb8;
	[tilespmem:$0x1E800] =	vst v63  }
0x49: {  	_ =	swait.ge [sflag:s22], $0x4000  }
0x4a: {  	[sflag:s22] =	ssyncset.done $0x0  }
0x4b: {  	[sflag:s22] =	ssyncadd.s32 $0xFFFFC000  }
0x4c: {  	[spmem:s3] =	stream.indirect.scatter.add.f32 [tilespmem:s20], [sflag:$0x3], $0x80, s24, s19, $0xb8;
	[tilespmem:$0x1E800] =	vst v63  }
0x4d: {  	_ =	swait.ge [sflag:s23], $0x4000  }
0x4e: {  	[sflag:s23] =	ssyncset.done $0x0  }
0x4f: {  	[sflag:s23] =	ssyncadd.s32 $0xFFFFC000  }
0x50: {  	_ =	swait.ge [sflag:s22], $0x4000  }
0x51: {  	[sflag:s22] =	ssyncset.done $0x0  }
0x52: {  	[sflag:s22] =	ssyncadd.s32 $0xFFFFC000  }
0x53: {  	[spmem:s3] =	stream.indirect.scatter.add.f32 [tilespmem:s21], [sflag:$0x3], $0x80, s26, s19, $0xb8;
	[tilespmem:$0x1E800] =	vst v63  }
0x54: {  	_ =	swait.ge [sflag:s23], $0x4000  }
0x55: {  	[sflag:s23] =	ssyncset.done $0x0  }
0x56: {  	s29 =	simm.s32 $0x0;
	[sflag:s23] =	ssyncadd.s32 $0xFFFFC000  }
0x57: {  	[tilespmem:s29], [sflag:$0x1] =	stream.linear.gather [hbm4b:s10+s29], $0x1400, $0x38;
	[tilespmem:$0x1E800] =	vst v63  }
0x58: {  	_ =	swait.ge [sflag:s18], $0x1400  }
0x59: {  	[sflag:s18] =	ssyncset.done $0x0  }
0x5a: {  	[sflag:s18] =	ssyncadd.s32 $0xFFFFEC00  }
0x5b: {  	[tilespmem:s16], [sflag:$0x1] =	stream.linear.gather [hbm4b:s11+s29], $0x1400, $0x38;
	[tilespmem:$0x1E800] =	vst v63  }
0x5c: {  	_ =	swait.ge [sflag:s18], $0x1400  }
0x5d: {  	[sflag:s18] =	ssyncset.done $0x0  }
0x5e: {  	[sflag:s18] =	ssyncadd.s32 $0xFFFFEC00  }
0x5f: {  	[tilespmem:s20], [sflag:$0x2] =	stream.indirect.gather [hbm4b:s2+s19], $0x80, s29, s19, $0xb8;
	[tilespmem:$0x1E800] =	vst v63  }
0x60: {  	_ = 	snop  }
0x61: {  	[tilespmem:s21], [sflag:$0x2] =	stream.indirect.gather [hbm4b:s2+s19], $0x80, s19, s19, $0xb8;
	[tilespmem:$0x1E800] =	vst v63  }
0x62: {  	_ =	swait.ge [sflag:s22], $0x4000  }
0x63: {  	[sflag:s22] =	ssyncset.done $0x0  }
0x64: {  	s29 =	simm.s32 $0x1400;
	[sflag:s22] =	ssyncadd.s32 $0xFFFFC000  }
0x65: {  	[spmem:s3] =	stream.indirect.scatter.add.f32 [tilespmem:s20], [sflag:$0x3], $0x80, s29, s19, $0xb8;
	[tilespmem:$0x1E800] =	vst v63  }
0x66: {  	_ =	swait.ge [sflag:s23], $0x4000  }
0x67: {  	[sflag:s23] =	ssyncset.done $0x0  }
0x68: {  	s29 =	simm.s32 $0x100;
	[sflag:s23] =	ssyncadd.s32 $0xFFFFC000  }
0x69: {  	[tilespmem:s20], [sflag:$0x2] =	stream.indirect.gather [hbm4b:s2+s19], $0x80, s29, s19, $0xb8;
	[tilespmem:$0x1E800] =	vst v63  }
0x6a: {  	_ =	swait.ge [sflag:s22], $0x4000  }
0x6b: {  	[sflag:s22] =	ssyncset.done $0x0  }
0x6c: {  	s29 =	simm.s32 $0x1480;
	[sflag:s22] =	ssyncadd.s32 $0xFFFFC000  }
0x6d: {  	[spmem:s3] =	stream.indirect.scatter.add.f32 [tilespmem:s21], [sflag:$0x3], $0x80, s29, s19, $0xb8;
	[tilespmem:$0x1E800] =	vst v63  }
0x6e: {  	_ =	swait.ge [sflag:s23], $0x4000  }
0x6f: {  	[sflag:s23] =	ssyncset.done $0x0  }
0x70: {  	s30 =	simm.s32 $0x180;
	s29 =	simm.s32 $0x400;
	[sflag:s23] =	ssyncadd.s32 $0xFFFFC000  }
.LBB2_4:
0x71: {  	[tilespmem:s21], [sflag:$0x2] =	stream.indirect.gather [hbm4b:s2+s19], $0x80, s30, s19, $0xb8;
	[tilespmem:$0x1E800] =	vst v63  }
0x72: {  	s30 =	smov.u32 s29  }
0x73: {  	p1 =	sne.s32 s29, $0x4800;
	s29 =	sadd.s32 $0x400, s29;
	_ =	swait.ge [sflag:s22], $0x4000  }
0x74: {  	s30 =	sshra.s32 s30, $0x2;
	[sflag:s22] =	ssyncset.done $0x0  }
0x75: {  	s31 =	sadd.s32 $0x1400, s30;
	[sflag:s22] =	ssyncadd.s32 $0xFFFFC000  }
0x76: {  	[spmem:s3] =	stream.indirect.scatter.add.f32 [tilespmem:s20], [sflag:$0x3], $0x80, s31, s19, $0xb8;
	[tilespmem:$0x1E800] =	vst v63  }
0x77: {  	_ =	swait.ge [sflag:s23], $0x4000  }
0x78: {  	[sflag:s23] =	ssyncset.done $0x0  }
0x79: {  	s31 =	sadd.s32 $0x100, s30;
	[sflag:s23] =	ssyncadd.s32 $0xFFFFC000  }
0x7a: {  	[tilespmem:s20], [sflag:$0x2] =	stream.indirect.gather [hbm4b:s2+s19], $0x80, s31, s19, $0xb8;
	[tilespmem:$0x1E800] =	vst v63  }
0x7b: {  	_ =	swait.ge [sflag:s22], $0x4000  }
0x7c: {  	[sflag:s22] =	ssyncset.done $0x0  }
.Ltmp1:
0x7d: {  	s31 =	sadd.s32 $0x1480, s30;
	[sflag:s22] =	ssyncadd.s32 $0xFFFFC000;
	(pc) =	sbr.rel @p1 .LBB2_4-.Ltmp1, $4  }
0x7e: {  	[spmem:s3] =	stream.indirect.scatter.add.f32 [tilespmem:s21], [sflag:$0x3], $0x80, s31, s19, $0xb8;
	[tilespmem:$0x1E800] =	vst v63  }
0x7f: {  	_ =	swait.ge [sflag:s23], $0x4000  }
0x80: {  	[sflag:s23] =	ssyncset.done $0x0  }
0x81: {  	s30 =	sadd.s32 $0x180, s30;
	[sflag:s23] =	ssyncadd.s32 $0xFFFFC000  }
0x82: {  	[tilespmem:s21], [sflag:$0x2] =	stream.indirect.gather [hbm4b:s2+s19], $0x80, s30, s19, $0xb8;
	[tilespmem:$0x1E800] =	vst v63  }
0x83: {  	_ =	swait.ge [sflag:s22], $0x4000  }
0x84: {  	[sflag:s22] =	ssyncset.done $0x0  }
0x85: {  	[sflag:s22] =	ssyncadd.s32 $0xFFFFC000  }
0x86: {  	[spmem:s3] =	stream.indirect.scatter.add.f32 [tilespmem:s20], [sflag:$0x3], $0x80, s24, s19, $0xb8;
	[tilespmem:$0x1E800] =	vst v63  }
0x87: {  	_ =	swait.ge [sflag:s23], $0x4000  }
0x88: {  	[sflag:s23] =	ssyncset.done $0x0  }
0x89: {  	[sflag:s23] =	ssyncadd.s32 $0xFFFFC000  }
0x8a: {  	_ =	swait.ge [sflag:s22], $0x4000  }
0x8b: {  	[sflag:s22] =	ssyncset.done $0x0  }
0x8c: {  	[sflag:s22] =	ssyncadd.s32 $0xFFFFC000  }
0x8d: {  	[spmem:s3] =	stream.indirect.scatter.add.f32 [tilespmem:s21], [sflag:$0x3], $0x80, s26, s19, $0xb8;
	[tilespmem:$0x1E800] =	vst v63  }
0x8e: {  	_ =	swait.ge [sflag:s23], $0x4000  }
0x8f: {  	[sflag:s23] =	ssyncset.done $0x0  }
0x90: {  	[sflag:s23] =	ssyncadd.s32 $0xFFFFC000  }
0x91: {  	s29 =	simm.s32 @p0 $0x4;
	[bflag:$0x0] =	sbarrier.arrive $0xFFFF  }
0x92: {  	[hbm:s13], [sflag:s7] =	dma.local @p0 [spmem:s25], $0x1900  }
0x93: {  	_ =	swait.ge @p0 [sflag:s29], $0x1900  }
0x94: {  	s28 =	sadd.s32 $0x1, s28;
	[sflag:s29] =	ssyncset.done @p0 $0x0  }
0x95: {  	p1 =	sne.s32 s28, s14;
	[sflag:s29] =	ssyncadd.s32 @p0 $0xFFFFE700;
	s29 =	sshrl.u32 @!p0 s5, $0x3  }
0x96: {  	[hbm:s12], [sflag:s7] =	dma.local @!p0 [spmem:s29], $0x2800  }
.Ltmp2:
0x97: {  	_ = 	snop;
	(pc) =	sbr.rel @p1 .LBB2_1-.Ltmp2, $4  }
0x98: {  	s29 =	simm.s32 @!p0 $0x4  }
0x99: {  	_ =	swait.ge @!p0 [sflag:s29], $0x2800  }
0x9a: {  	[sflag:s29] =	ssyncset.done @!p0 $0x0  }
0x9b: {  	[sflag:s29] =	ssyncadd.s32 @!p0 $0xFFFFD800  }
0x9c: {  	_ =	sfence.sel $0x180000  }
0x9d: {  	[bflag:$0x0] =	sbarrier.arrive $0xFFFF  }
0x9e: {  	p0 =	sne.s32 s1, $0x0;
	_ =	strace $0x90000047  }
0x9f: {  	s0 =	sadd.s32 @!p0 $0x100000, s0;
	[bflag:$0x2] =	sbarrier.arrive $0xFFFF  }
0xa0: {  	[sflag:s0] =	ssyncadd.tile.s32 @!p0 $0x1;
	_ =	shalt  }
.Lfunc_end2:
_tile_overlayer_lowered:
.L_overlay_start_2:
0xa1: {  	(tag) =	ssettag $0x2  }
0xa2: {  	s0 =	rddreg [dreg:$0x0];
	s2 =	stileid.u32  }
0xa3: {  	s1 =	rddreg [dreg:$0x1];
	p0 =	sne.s32 s2, $0x0  }
0xa4: {  	s3 =	rddreg [dreg:$0x2];
	[bflag:$0x3] =	sbarrier.arrive $0xFFFF;
	s2 =	simm.s32 @!p0 $0x1C05  }
0xa5: {  	[timem:s3], [sflag:s2] =	dma.local @!p0 [hbm:s0], s1  }
0xa6: {  	s0 =	simm.s32 @!p0 $0x5  }
0xa7: {  	_ =	swait.ge @!p0 [sflag:s0], s1  }
0xa8: {  	s1 =	ssub.s32 @!p0 $0x0, s1;
	[sflag:s0] =	ssyncset.done @!p0 $0x0  }
0xa9: {  	[sflag:s0] =	ssyncadd.s32 @!p0 s1  }
0xaa: {  	[bflag:$0x3] =	sbarrier.arrive $0xFFFF  }
0xab: {  	_ =	shalt  }

</sc_bundles>
